<compile_context>
chip_gen: v7x
topology: tpu7x:2x2x1
jax: 0.10.2.dev20260603
libtpu: 0.0.44.dev20260713+nightly
codegen_flags: <defaults>
</compile_context>

<pallas_src>
import functools

import jax
import jax.numpy as jnp
from jax import lax
from jax.experimental import pallas as pl
from jax.experimental.pallas import tpu as pltpu
from jax.experimental.pallas import tpu_sc as plsc

N = 10000
D = 128
NC = 2
NS = 16
NPAD = 10224
ROWS_PER_TILE = NPAD // NS
TAB_ROWS_PER_TILE = N // NS
DH = 80
FB = 48
K = 128
GC = 4
BLK = 2000


def _make_sc_pass(epw):
    ngroups = epw // (GC * K)
    mesh = plsc.VectorSubcoreMesh(core_axis_name="c", subcore_axis_name="s")

    @functools.partial(
        pl.kernel,
        out_type=jax.ShapeDtypeStruct((NC * NPAD, DH), jnp.float32),
        mesh=mesh,
        scratch_types=[
            pltpu.VMEM((GC, K), jnp.int32),
            pltpu.VMEM((GC, K), jnp.int32),
            pltpu.VMEM((GC, K), jnp.int32),
            pltpu.VMEM((GC, K), jnp.int32),
            pltpu.VMEM((K, DH), jnp.float32),
            pltpu.VMEM((K, DH), jnp.float32),
            pltpu.VMEM_SHARED((N, DH), jnp.float32),
            pltpu.VMEM_SHARED((NPAD, DH), jnp.float32),
            pltpu.SemaphoreType.DMA,
            pltpu.SemaphoreType.DMA,
            pltpu.SemaphoreType.DMA,
            pltpu.SemaphoreType.DMA,
            pltpu.SemaphoreType.DMA,
            pltpu.SemaphoreType.DMA,
        ],
        compiler_params=pltpu.CompilerParams(use_tc_tiling_on_sc=False),
    )
    def sc_pass(tabs_hbm, src_hbm, dst_hbm, out_hbm, sidx0, sidx1,
                didx0, didx1, rbuf0, rbuf1, tab_sh, acc_sh,
                semg0, semg1, semi0, semi1, semsc0, semsc1):
        c = lax.axis_index("c")
        s = lax.axis_index("s")
        sidx = (sidx0, sidx1)
        didx = (didx0, didx1)
        rbuf = (rbuf0, rbuf1)
        semg = (semg0, semg1)
        semi = (semi0, semi1)
        semsc = (semsc0, semsc1)

        trow = s * TAB_ROWS_PER_TILE
        pltpu.async_copy(
            tabs_hbm.at[c, pl.ds(trow, TAB_ROWS_PER_TILE)],
            tab_sh.at[pl.ds(trow, TAB_ROWS_PER_TILE)], semg0)

        def zero_row(i, carry):
            for j in range(DH // 16):
                rbuf0[i, pl.ds(j * 16, 16)] = jnp.zeros((16,), jnp.float32)
            return carry

        lax.fori_loop(0, K, zero_row, 0)
        pltpu.make_async_copy(
            tabs_hbm.at[c, pl.ds(trow, TAB_ROWS_PER_TILE)],
            tab_sh.at[pl.ds(trow, TAB_ROWS_PER_TILE)], semg0).wait()

        row0 = s * ROWS_PER_TILE
        for r in range(ROWS_PER_TILE // K):
            pltpu.sync_copy(rbuf0, acc_sh.at[pl.ds(row0 + r * K, K)])
        rem = ROWS_PER_TILE % K
        if rem:
            pltpu.sync_copy(
                rbuf0.at[pl.ds(0, rem)],
                acc_sh.at[pl.ds(row0 + (ROWS_PER_TILE // K) * K, rem)])
        plsc.subcore_barrier()

        def idx_issue(g, b):
            pltpu.async_copy(src_hbm.at[s, g], sidx[b], semi[b])
            pltpu.async_copy(dst_hbm.at[s, g], didx[b], semi[b])

        def idx_wait(g, b):
            pltpu.make_async_copy(src_hbm.at[s, g], sidx[b], semi[b]).wait()
            pltpu.make_async_copy(dst_hbm.at[s, g], didx[b], semi[b]).wait()

        def g_issue(b, j, r):
            pltpu.async_copy(tab_sh.at[sidx[b].at[j]], rbuf[r], semg[r])

        def g_wait(b, j, r):
            pltpu.make_async_copy(
                tab_sh.at[sidx[b].at[j]], rbuf[r], semg[r]).wait()

        def process_group(g, b):
            @pl.when(g + 1 < ngroups)
            def _():
                idx_issue(g + 1, 1 - b)

            for j in range(GC):
                r = j % 2
                g_wait(b, j, r)
                hsc = pltpu.async_copy(
                    rbuf[r], acc_sh.at[didx[b].at[j]], semsc0, add=True)
                if j < GC - 1:
                    g_issue(b, j + 1, 1 - r)
                else:
                    @pl.when(g + 1 < ngroups)
                    def _():
                        idx_wait(g + 1, 1 - b)
                        g_issue(1 - b, 0, 1 - r)
                hsc.wait()

        idx_issue(0, 0)
        idx_wait(0, 0)
        g_issue(0, 0, 0)

        def body(gg, carry):
            process_group(2 * gg, 0)
            process_group(2 * gg + 1, 1)
            return carry

        lax.fori_loop(0, ngroups // 2, body, 0)
        plsc.subcore_barrier()

        pltpu.sync_copy(
            acc_sh.at[pl.ds(row0, ROWS_PER_TILE)],
            out_hbm.at[pl.ds(c * NPAD + row0, ROWS_PER_TILE)])

    return sc_pass


def _tc_layer(acc, ta, wl_t, wr_t, b, relu_flag):

    def body(f_ref, acc_ref, t_ref, wl_ref, wr_ref, b_ref, o_ref):
        a0 = acc_ref[0]
        a1 = acc_ref[1]
        cnt = jnp.maximum(a1[:, FB:FB + 1], 1.0)
        mean = jnp.concatenate([a0, a1[:, :FB]], axis=1) / cnt
        x = jnp.concatenate([t_ref[0], t_ref[1, :, :FB]], axis=1)
        h = (jnp.dot(mean, wl_ref[...], preferred_element_type=jnp.float32)
             + jnp.dot(x, wr_ref[...], preferred_element_type=jnp.float32)
             + b_ref[...])
        h = jnp.where(f_ref[0, 0] > 0.5, jnp.maximum(h, 0.0), h)
        o_ref[0] = h[:, :DH]
        o_ref[1] = jnp.concatenate(
            [h[:, DH:], jnp.ones((BLK, 1), jnp.float32),
             jnp.zeros((BLK, DH - FB - 1), jnp.float32)], axis=1)

    return pl.pallas_call(
        body,
        grid=(N // BLK,),
        in_specs=[
            pl.BlockSpec((1, 1), lambda i: (0, 0)),
            pl.BlockSpec((2, BLK, DH), lambda i: (0, i, 0)),
            pl.BlockSpec((2, BLK, DH), lambda i: (0, i, 0)),
            pl.BlockSpec((D, D), lambda i: (0, 0)),
            pl.BlockSpec((D, D), lambda i: (0, 0)),
            pl.BlockSpec((1, D), lambda i: (0, 0)),
        ],
        out_specs=pl.BlockSpec((2, BLK, DH), lambda i: (0, i, 0)),
        out_shape=jax.ShapeDtypeStruct((2, N, DH), jnp.float32),
    )(relu_flag, acc, ta, wl_t, wr_t, b)


def kernel(x, adj_t, emb, Wl1, bl1, Wr1, Wl2, bl2, Wr2):
    src = adj_t[0].astype(jnp.int32)
    dst = adj_t[1].astype(jnp.int32)
    e = src.shape[0]
    gsz = 2 * GC * K
    epw = -(-e // (NS * gsz)) * gsz
    epad = NS * epw
    pad = epad - e
    src_p = jnp.concatenate(
        [src, jnp.zeros((pad,), jnp.int32)]).reshape(NS, epw // (GC * K), GC, K)
    dst_p = jnp.concatenate(
        [dst, jnp.full((pad,), N, jnp.int32)]).reshape(NS, epw // (GC * K), GC, K)

    tabs1 = jnp.stack([
        emb[:, :DH],
        jnp.concatenate(
            [emb[:, DH:], jnp.ones((N, 1), jnp.float32),
             jnp.zeros((N, DH - FB - 1), jnp.float32)], axis=1),
    ])

    sc = _make_sc_pass(epw)
    wl_s = jnp.stack([Wl1.T, Wl2.T])
    wr_s = jnp.stack([Wr1.T, Wr2.T])
    b_s = jnp.stack([bl1.reshape(1, D), bl2.reshape(1, D)])
    f_s = jnp.array([[[1.0]], [[0.0]]], jnp.float32)
    n_layers = lax.optimization_barrier(jnp.int32(2))

    def layer(state):
        i, tabs = state
        acc = sc(tabs, src_p, dst_p).reshape(NC, NPAD, DH)
        h = _tc_layer(acc, tabs, wl_s[i], wr_s[i], b_s[i], f_s[i])
        return (i + 1, h)

    _, h = lax.while_loop(
        lambda state: state[0] < n_layers, layer, (jnp.int32(0), tabs1))
    return jnp.concatenate([h[0], h[1, :, :FB]], axis=1)

# --- scband reference (transcript-rebuilt; emitter-appended) ---
"""Pipeline reference for scband-sage-1803886264469 (READ-ONLY COPY).

The authoritative reference and input builder live on the scoring server;
editing this copy changes nothing except your own understanding.
"""

import jax, jax.numpy as jnp
import numpy as np

N = 10000
E = 320000
D_IN = 128
D_HID = 128
D_OUT = 128


def sage_conv(x, src, dst, Wl, bl, Wr, num_nodes):
    # PyG SAGEConv with mean aggregation:
    # out = lin_l(mean_{j in N(i)} x_j) + lin_r(x_i)
    msgs = x[src]
    agg = jax.ops.segment_sum(msgs, dst, num_segments=num_nodes)
    cnt = jax.ops.segment_sum(jnp.ones((msgs.shape[0],), dtype=x.dtype), dst, num_segments=num_nodes)
    mean = agg / jnp.clip(cnt, 1.0)[:, None]
    return mean @ Wl.T + bl + x @ Wr.T


def setup_inputs(seed: int = 0) -> dict:
    key = jax.random.key(seed)
    ks = jax.random.split(key, 9)
    x = jax.random.randint(ks[0], (N,), 0, N, dtype=jnp.int64)
    adj_t = jax.random.randint(ks[1], (2, E), 0, N, dtype=jnp.int64)
    emb = jax.random.normal(ks[2], (N, D_IN), dtype=jnp.float32) * 0.05
    Wl1 = jax.random.normal(ks[3], (D_HID, D_IN), dtype=jnp.float32) * 0.05
    bl1 = jnp.zeros((D_HID,), dtype=jnp.float32)
    Wr1 = jax.random.normal(ks[4], (D_HID, D_IN), dtype=jnp.float32) * 0.05
    Wl2 = jax.random.normal(ks[5], (D_OUT, D_HID), dtype=jnp.float32) * 0.05
    bl2 = jnp.zeros((D_OUT,), dtype=jnp.float32)
    Wr2 = jax.random.normal(ks[6], (D_OUT, D_HID), dtype=jnp.float32) * 0.05
    return {"x": x, "adj_t": adj_t, "emb": emb, "Wl1": Wl1, "bl1": bl1, "Wr1": Wr1, "Wl2": Wl2, "bl2": bl2, "Wr2": Wr2}


def reference(x, adj_t, emb, Wl1, bl1, Wr1, Wl2, bl2, Wr2):
    src = adj_t[0]
    dst = adj_t[1]
    # x is int64 -> module replaces it with node_embedding(arange(N)) == full table
    h = emb
    h = sage_conv(h, src, dst, Wl1, bl1, Wr1, N)
    h = jax.nn.relu(h)
    # dropout is identity in eval mode
    h = sage_conv(h, src, dst, Wl2, bl2, Wr2, N)
    return h

if __name__ == "__main__":
    import jax
    _d = setup_inputs()
    print(jax.jit(kernel)(*tuple(_d.values())))

</pallas_src>

<mosaic_0001>
#map = affine_map<(d0, d1) -> (0, 0, 0)>
#map1 = affine_map<(d0, d1) -> (0, 0, 0, 0)>
#map2 = affine_map<(d0, d1) -> (0, 0)>
module attributes {stable_mosaic.version = 14 : i64} {
  func.func @sc_pass(%arg0: i32, %arg1: i32, %arg2: memref<2x10000x80xf32, #tpu.memory_space<hbm>>, %arg3: memref<16x40x4x128xi32, #tpu.memory_space<hbm>>, %arg4: memref<16x40x4x128xi32, #tpu.memory_space<hbm>>, %arg5: memref<20448x80xf32, #tpu.memory_space<hbm>>, %arg6: memref<4x128xi32, #tpu.memory_space<vmem>>, %arg7: memref<4x128xi32, #tpu.memory_space<vmem>>, %arg8: memref<4x128xi32, #tpu.memory_space<vmem>>, %arg9: memref<4x128xi32, #tpu.memory_space<vmem>>, %arg10: memref<128x80xf32, #tpu.memory_space<vmem>>, %arg11: memref<128x80xf32, #tpu.memory_space<vmem>>, %arg12: memref<10000x80xf32, #tpu.memory_space<vmem_shared>>, %arg13: memref<10224x80xf32, #tpu.memory_space<vmem_shared>>, %arg14: memref<!tpu.dma_semaphore, #tpu.memory_space<semaphore_mem>>, %arg15: memref<!tpu.dma_semaphore, #tpu.memory_space<semaphore_mem>>, %arg16: memref<!tpu.dma_semaphore, #tpu.memory_space<semaphore_mem>>, %arg17: memref<!tpu.dma_semaphore, #tpu.memory_space<semaphore_mem>>, %arg18: memref<!tpu.dma_semaphore, #tpu.memory_space<semaphore_mem>>, %arg19: memref<!tpu.dma_semaphore, #tpu.memory_space<semaphore_mem>>) attributes {dimension_semantics = [#tpu.dimension_semantics<core_parallel>, #tpu.dimension_semantics<subcore_parallel>], iteration_bounds = array<i64: 2, 16>, scalar_prefetch = 0 : i64, scratch_operands = 14 : i64, tpu.core_type = #tpu.core_type<sc_vector_subcore>, window_params = [{transform_indices = #map}, {transform_indices = #map1}, {transform_indices = #map1}, {transform_indices = #map2}]} {
    %mul3A = arith.constant 625 : i32
    %mul3A_0 = arith.muli %arg1, %mul3A : i32
    %dma_start3A = arith.constant 0 : i32
    %dma_start3A_1 = tpu.memref_slice %arg12[%mul3A_0, %dma_start3A] : memref<10000x80xf32, #tpu.memory_space<vmem_shared>> -> memref<625x80xf32, #tpu.memory_space<vmem_shared>>
    %dma_start3A_2 = arith.constant 0 : i32
    %dma_start3A_3 = tpu.memref_slice %arg2[%arg0, %mul3A_0, %dma_start3A_2] : memref<2x10000x80xf32, #tpu.memory_space<hbm>> -> memref<1x625x80xf32, #tpu.memory_space<hbm>>
    %dma_start3A_4 = tpu.memref_squeeze %dma_start3A_3 : memref<1x625x80xf32, #tpu.memory_space<hbm>> -> memref<625x80xf32, #tpu.memory_space<hbm>>
    tpu.enqueue_dma source(%dma_start3A_4 : memref<625x80xf32, #tpu.memory_space<hbm>>) target(%dma_start3A_1 : memref<625x80xf32, #tpu.memory_space<vmem_shared>>) target_semaphore(%arg14 : memref<!tpu.dma_semaphore, #tpu.memory_space<semaphore_mem>>)
    %scan3A = arith.constant 0 : i32
    %scan3A_5 = arith.constant 0 : i32
    %scan3A_6 = arith.constant 128 : i32
    %scan3A_7 = arith.addi %scan3A_5, %scan3A_6 : i32
    %scan3A_8 = arith.constant 1 : i32
    scf.for %scan3A_78 = %scan3A_5 to %scan3A_7 step %scan3A_8  : i32 {
      %broadcast_in_dim3A = arith.constant 0.000000e+00 : f32
      %broadcast_in_dim3A_79 = vector.broadcast %broadcast_in_dim3A : f32 to vector<16xf32>
      %swap3A = arith.index_cast %scan3A_78 : i32 to index
      %swap3A_80 = arith.constant 0 : index
      %swap3A_81 = tpu.vector_load %arg10[%swap3A, %swap3A_80] {strides = array<i32>} : memref<128x80xf32, #tpu.memory_space<vmem>>, vector<1x16xf32>,
      %swap3A_82 = vector.shape_cast %swap3A_81 : vector<1x16xf32> to vector<16xf32>
      %swap3A_83 = vector.shape_cast %broadcast_in_dim3A_79 : vector<16xf32> to vector<1x16xf32>
      tpu.vector_store %arg10[%swap3A, %swap3A_80], %swap3A_83 {strides = array<i32>} : memref<128x80xf32, #tpu.memory_space<vmem>>, vector<1x16xf32>,
      %broadcast_in_dim3A_84 = arith.constant 0.000000e+00 : f32
      %broadcast_in_dim3A_85 = vector.broadcast %broadcast_in_dim3A_84 : f32 to vector<16xf32>
      %swap3A_86 = arith.index_cast %scan3A_78 : i32 to index
      %swap3A_87 = arith.constant 16 : index
      %swap3A_88 = tpu.vector_load %arg10[%swap3A_86, %swap3A_87] {strides = array<i32>} : memref<128x80xf32, #tpu.memory_space<vmem>>, vector<1x16xf32>,
      %swap3A_89 = vector.shape_cast %swap3A_88 : vector<1x16xf32> to vector<16xf32>
      %swap3A_90 = vector.shape_cast %broadcast_in_dim3A_85 : vector<16xf32> to vector<1x16xf32>
      tpu.vector_store %arg10[%swap3A_86, %swap3A_87], %swap3A_90 {strides = array<i32>} : memref<128x80xf32, #tpu.memory_space<vmem>>, vector<1x16xf32>,
      %broadcast_in_dim3A_91 = arith.constant 0.000000e+00 : f32
      %broadcast_in_dim3A_92 = vector.broadcast %broadcast_in_dim3A_91 : f32 to vector<16xf32>
      %swap3A_93 = arith.index_cast %scan3A_78 : i32 to index
      %swap3A_94 = arith.constant 32 : index
      %swap3A_95 = tpu.vector_load %arg10[%swap3A_93, %swap3A_94] {strides = array<i32>} : memref<128x80xf32, #tpu.memory_space<vmem>>, vector<1x16xf32>,
      %swap3A_96 = vector.shape_cast %swap3A_95 : vector<1x16xf32> to vector<16xf32>
      %swap3A_97 = vector.shape_cast %broadcast_in_dim3A_92 : vector<16xf32> to vector<1x16xf32>
      tpu.vector_store %arg10[%swap3A_93, %swap3A_94], %swap3A_97 {strides = array<i32>} : memref<128x80xf32, #tpu.memory_space<vmem>>, vector<1x16xf32>,
      %broadcast_in_dim3A_98 = arith.constant 0.000000e+00 : f32
      %broadcast_in_dim3A_99 = vector.broadcast %broadcast_in_dim3A_98 : f32 to vector<16xf32>
      %swap3A_100 = arith.index_cast %scan3A_78 : i32 to index
      %swap3A_101 = arith.constant 48 : index
      %swap3A_102 = tpu.vector_load %arg10[%swap3A_100, %swap3A_101] {strides = array<i32>} : memref<128x80xf32, #tpu.memory_space<vmem>>, vector<1x16xf32>,
      %swap3A_103 = vector.shape_cast %swap3A_102 : vector<1x16xf32> to vector<16xf32>
      %swap3A_104 = vector.shape_cast %broadcast_in_dim3A_99 : vector<16xf32> to vector<1x16xf32>
      tpu.vector_store %arg10[%swap3A_100, %swap3A_101], %swap3A_104 {strides = array<i32>} : memref<128x80xf32, #tpu.memory_space<vmem>>, vector<1x16xf32>,
      %broadcast_in_dim3A_105 = arith.constant 0.000000e+00 : f32
      %broadcast_in_dim3A_106 = vector.broadcast %broadcast_in_dim3A_105 : f32 to vector<16xf32>
      %swap3A_107 = arith.index_cast %scan3A_78 : i32 to index
      %swap3A_108 = arith.constant 64 : index
      %swap3A_109 = tpu.vector_load %arg10[%swap3A_107, %swap3A_108] {strides = array<i32>} : memref<128x80xf32, #tpu.memory_space<vmem>>, vector<1x16xf32>,
      %swap3A_110 = vector.shape_cast %swap3A_109 : vector<1x16xf32> to vector<16xf32>
      %swap3A_111 = vector.shape_cast %broadcast_in_dim3A_106 : vector<16xf32> to vector<1x16xf32>
      tpu.vector_store %arg10[%swap3A_107, %swap3A_108], %swap3A_111 {strides = array<i32>} : memref<128x80xf32, #tpu.memory_space<vmem>>, vector<1x16xf32>,
    }
    %scan3A_9 = arith.constant 128 : i32
    %dma_wait3A = arith.constant 0 : i32
    %dma_wait3A_10 = tpu.memref_slice %arg12[%mul3A_0, %dma_wait3A] : memref<10000x80xf32, #tpu.memory_space<vmem_shared>> -> memref<625x80xf32, #tpu.memory_space<vmem_shared>>
    %dma_wait3A_11 = arith.constant 0 : i32
    %dma_wait3A_12 = tpu.memref_slice %arg2[%arg0, %mul3A_0, %dma_wait3A_11] : memref<2x10000x80xf32, #tpu.memory_space<hbm>> -> memref<1x625x80xf32, #tpu.memory_space<hbm>>
    %dma_wait3A_13 = tpu.memref_squeeze %dma_wait3A_12 : memref<1x625x80xf32, #tpu.memory_space<hbm>> -> memref<625x80xf32, #tpu.memory_space<hbm>>
    tpu.wait_dma2 semaphore(%arg14 : memref<!tpu.dma_semaphore, #tpu.memory_space<semaphore_mem>>) src(%dma_wait3A_13 : memref<625x80xf32, #tpu.memory_space<hbm>>) dst(%dma_wait3A_10 : memref<625x80xf32, #tpu.memory_space<vmem_shared>>)
    %mul3A_14 = arith.constant 639 : i32
    %mul3A_15 = arith.muli %arg1, %mul3A_14 : i32
    %add3A = arith.constant 0 : i32
    %add3A_16 = arith.addi %mul3A_15, %add3A : i32
    "tpu.region"() ({
      %run_scoped3A = tpu.sem_alloc : memref<!tpu.dma_semaphore, #tpu.memory_space<semaphore_mem>>
      %dma_start3A_78 = arith.constant 0 : i32
      %dma_start3A_79 = tpu.memref_slice %arg13[%add3A_16, %dma_start3A_78] : memref<10224x80xf32, #tpu.memory_space<vmem_shared>> -> memref<128x80xf32, #tpu.memory_space<vmem_shared>>
      %dma_start3A_80 = arith.constant 0 : i32
      %dma_start3A_81 = tpu.memref_slice %arg13[%add3A_16, %dma_start3A_80] : memref<10224x80xf32, #tpu.memory_space<vmem_shared>> -> memref<128x80xf32, #tpu.memory_space<vmem_shared>>
      tpu.enqueue_dma source(%arg10 : memref<128x80xf32, #tpu.memory_space<vmem>>) target(%dma_start3A_81 : memref<128x80xf32, #tpu.memory_space<vmem_shared>>) target_semaphore(%run_scoped3A : memref<!tpu.dma_semaphore, #tpu.memory_space<semaphore_mem>>)
      %dma_wait3A_82 = arith.constant 0 : i32
      %dma_wait3A_83 = tpu.memref_slice %arg13[%add3A_16, %dma_wait3A_82] : memref<10224x80xf32, #tpu.memory_space<vmem_shared>> -> memref<128x80xf32, #tpu.memory_space<vmem_shared>>
      %dma_wait3A_84 = arith.constant 0 : i32
      %dma_wait3A_85 = tpu.memref_slice %arg13[%add3A_16, %dma_wait3A_84] : memref<10224x80xf32, #tpu.memory_space<vmem_shared>> -> memref<128x80xf32, #tpu.memory_space<vmem_shared>>
      tpu.wait_dma2 semaphore(%run_scoped3A : memref<!tpu.dma_semaphore, #tpu.memory_space<semaphore_mem>>) src(%arg10 : memref<128x80xf32, #tpu.memory_space<vmem>>) dst(%dma_wait3A_85 : memref<128x80xf32, #tpu.memory_space<vmem_shared>>)
      tpu.yield
    }) : () -> ()
    %add3A_17 = arith.constant 128 : i32
    %add3A_18 = arith.addi %mul3A_15, %add3A_17 : i32
    "tpu.region"() ({
      %run_scoped3A = tpu.sem_alloc : memref<!tpu.dma_semaphore, #tpu.memory_space<semaphore_mem>>
      %dma_start3A_78 = arith.constant 0 : i32
      %dma_start3A_79 = tpu.memref_slice %arg13[%add3A_18, %dma_start3A_78] : memref<10224x80xf32, #tpu.memory_space<vmem_shared>> -> memref<128x80xf32, #tpu.memory_space<vmem_shared>>
      %dma_start3A_80 = arith.constant 0 : i32
      %dma_start3A_81 = tpu.memref_slice %arg13[%add3A_18, %dma_start3A_80] : memref<10224x80xf32, #tpu.memory_space<vmem_shared>> -> memref<128x80xf32, #tpu.memory_space<vmem_shared>>
      tpu.enqueue_dma source(%arg10 : memref<128x80xf32, #tpu.memory_space<vmem>>) target(%dma_start3A_81 : memref<128x80xf32, #tpu.memory_space<vmem_shared>>) target_semaphore(%run_scoped3A : memref<!tpu.dma_semaphore, #tpu.memory_space<semaphore_mem>>)
      %dma_wait3A_82 = arith.constant 0 : i32
      %dma_wait3A_83 = tpu.memref_slice %arg13[%add3A_18, %dma_wait3A_82] : memref<10224x80xf32, #tpu.memory_space<vmem_shared>> -> memref<128x80xf32, #tpu.memory_space<vmem_shared>>
      %dma_wait3A_84 = arith.constant 0 : i32
      %dma_wait3A_85 = tpu.memref_slice %arg13[%add3A_18, %dma_wait3A_84] : memref<10224x80xf32, #tpu.memory_space<vmem_shared>> -> memref<128x80xf32, #tpu.memory_space<vmem_shared>>
      tpu.wait_dma2 semaphore(%run_scoped3A : memref<!tpu.dma_semaphore, #tpu.memory_space<semaphore_mem>>) src(%arg10 : memref<128x80xf32, #tpu.memory_space<vmem>>) dst(%dma_wait3A_85 : memref<128x80xf32, #tpu.memory_space<vmem_shared>>)
      tpu.yield
    }) : () -> ()
    %add3A_19 = arith.constant 256 : i32
    %add3A_20 = arith.addi %mul3A_15, %add3A_19 : i32
    "tpu.region"() ({
      %run_scoped3A = tpu.sem_alloc : memref<!tpu.dma_semaphore, #tpu.memory_space<semaphore_mem>>
      %dma_start3A_78 = arith.constant 0 : i32
      %dma_start3A_79 = tpu.memref_slice %arg13[%add3A_20, %dma_start3A_78] : memref<10224x80xf32, #tpu.memory_space<vmem_shared>> -> memref<128x80xf32, #tpu.memory_space<vmem_shared>>
      %dma_start3A_80 = arith.constant 0 : i32
      %dma_start3A_81 = tpu.memref_slice %arg13[%add3A_20, %dma_start3A_80] : memref<10224x80xf32, #tpu.memory_space<vmem_shared>> -> memref<128x80xf32, #tpu.memory_space<vmem_shared>>
      tpu.enqueue_dma source(%arg10 : memref<128x80xf32, #tpu.memory_space<vmem>>) target(%dma_start3A_81 : memref<128x80xf32, #tpu.memory_space<vmem_shared>>) target_semaphore(%run_scoped3A : memref<!tpu.dma_semaphore, #tpu.memory_space<semaphore_mem>>)
      %dma_wait3A_82 = arith.constant 0 : i32
      %dma_wait3A_83 = tpu.memref_slice %arg13[%add3A_20, %dma_wait3A_82] : memref<10224x80xf32, #tpu.memory_space<vmem_shared>> -> memref<128x80xf32, #tpu.memory_space<vmem_shared>>
      %dma_wait3A_84 = arith.constant 0 : i32
      %dma_wait3A_85 = tpu.memref_slice %arg13[%add3A_20, %dma_wait3A_84] : memref<10224x80xf32, #tpu.memory_space<vmem_shared>> -> memref<128x80xf32, #tpu.memory_space<vmem_shared>>
      tpu.wait_dma2 semaphore(%run_scoped3A : memref<!tpu.dma_semaphore, #tpu.memory_space<semaphore_mem>>) src(%arg10 : memref<128x80xf32, #tpu.memory_space<vmem>>) dst(%dma_wait3A_85 : memref<128x80xf32, #tpu.memory_space<vmem_shared>>)
      tpu.yield
    }) : () -> ()
    %add3A_21 = arith.constant 384 : i32
    %add3A_22 = arith.addi %mul3A_15, %add3A_21 : i32
    "tpu.region"() ({
      %run_scoped3A = tpu.sem_alloc : memref<!tpu.dma_semaphore, #tpu.memory_space<semaphore_mem>>
      %dma_start3A_78 = arith.constant 0 : i32
      %dma_start3A_79 = tpu.memref_slice %arg13[%add3A_22, %dma_start3A_78] : memref<10224x80xf32, #tpu.memory_space<vmem_shared>> -> memref<128x80xf32, #tpu.memory_space<vmem_shared>>
      %dma_start3A_80 = arith.constant 0 : i32
      %dma_start3A_81 = tpu.memref_slice %arg13[%add3A_22, %dma_start3A_80] : memref<10224x80xf32, #tpu.memory_space<vmem_shared>> -> memref<128x80xf32, #tpu.memory_space<vmem_shared>>
      tpu.enqueue_dma source(%arg10 : memref<128x80xf32, #tpu.memory_space<vmem>>) target(%dma_start3A_81 : memref<128x80xf32, #tpu.memory_space<vmem_shared>>) target_semaphore(%run_scoped3A : memref<!tpu.dma_semaphore, #tpu.memory_space<semaphore_mem>>)
      %dma_wait3A_82 = arith.constant 0 : i32
      %dma_wait3A_83 = tpu.memref_slice %arg13[%add3A_22, %dma_wait3A_82] : memref<10224x80xf32, #tpu.memory_space<vmem_shared>> -> memref<128x80xf32, #tpu.memory_space<vmem_shared>>
      %dma_wait3A_84 = arith.constant 0 : i32
      %dma_wait3A_85 = tpu.memref_slice %arg13[%add3A_22, %dma_wait3A_84] : memref<10224x80xf32, #tpu.memory_space<vmem_shared>> -> memref<128x80xf32, #tpu.memory_space<vmem_shared>>
      tpu.wait_dma2 semaphore(%run_scoped3A : memref<!tpu.dma_semaphore, #tpu.memory_space<semaphore_mem>>) src(%arg10 : memref<128x80xf32, #tpu.memory_space<vmem>>) dst(%dma_wait3A_85 : memref<128x80xf32, #tpu.memory_space<vmem_shared>>)
      tpu.yield
    }) : () -> ()
    %add3A_23 = arith.constant 512 : i32
    %add3A_24 = arith.addi %mul3A_15, %add3A_23 : i32
    "tpu.region"() ({
      %run_scoped3A = tpu.sem_alloc : memref<!tpu.dma_semaphore, #tpu.memory_space<semaphore_mem>>
      %dma_start3A_78 = arith.constant 0 : i32
      %dma_start3A_79 = arith.constant 0 : i32
      %dma_start3A_80 = tpu.memref_slice %arg10[%dma_start3A_78, %dma_start3A_79] : memref<128x80xf32, #tpu.memory_space<vmem>> -> memref<127x80xf32, #tpu.memory_space<vmem>>
      %dma_start3A_81 = arith.constant 0 : i32
      %dma_start3A_82 = tpu.memref_slice %arg13[%add3A_24, %dma_start3A_81] : memref<10224x80xf32, #tpu.memory_space<vmem_shared>> -> memref<127x80xf32, #tpu.memory_space<vmem_shared>>
      %dma_start3A_83 = arith.constant 0 : i32
      %dma_start3A_84 = tpu.memref_slice %arg13[%add3A_24, %dma_start3A_83] : memref<10224x80xf32, #tpu.memory_space<vmem_shared>> -> memref<127x80xf32, #tpu.memory_space<vmem_shared>>
      %dma_start3A_85 = arith.constant 0 : i32
      %dma_start3A_86 = arith.constant 0 : i32
      %dma_start3A_87 = tpu.memref_slice %arg10[%dma_start3A_85, %dma_start3A_86] : memref<128x80xf32, #tpu.memory_space<vmem>> -> memref<127x80xf32, #tpu.memory_space<vmem>>
      tpu.enqueue_dma source(%dma_start3A_87 : memref<127x80xf32, #tpu.memory_space<vmem>>) target(%dma_start3A_84 : memref<127x80xf32, #tpu.memory_space<vmem_shared>>) target_semaphore(%run_scoped3A : memref<!tpu.dma_semaphore, #tpu.memory_space<semaphore_mem>>)
      %dma_wait3A_88 = arith.constant 0 : i32
      %dma_wait3A_89 = arith.constant 0 : i32
      %dma_wait3A_90 = tpu.memref_slice %arg10[%dma_wait3A_88, %dma_wait3A_89] : memref<128x80xf32, #tpu.memory_space<vmem>> -> memref<127x80xf32, #tpu.memory_space<vmem>>
      %dma_wait3A_91 = arith.constant 0 : i32
      %dma_wait3A_92 = tpu.memref_slice %arg13[%add3A_24, %dma_wait3A_91] : memref<10224x80xf32, #tpu.memory_space<vmem_shared>> -> memref<127x80xf32, #tpu.memory_space<vmem_shared>>
      %dma_wait3A_93 = arith.constant 0 : i32
      %dma_wait3A_94 = tpu.memref_slice %arg13[%add3A_24, %dma_wait3A_93] : memref<10224x80xf32, #tpu.memory_space<vmem_shared>> -> memref<127x80xf32, #tpu.memory_space<vmem_shared>>
      %dma_wait3A_95 = arith.constant 0 : i32
      %dma_wait3A_96 = arith.constant 0 : i32
      %dma_wait3A_97 = tpu.memref_slice %arg10[%dma_wait3A_95, %dma_wait3A_96] : memref<128x80xf32, #tpu.memory_space<vmem>> -> memref<127x80xf32, #tpu.memory_space<vmem>>
      tpu.wait_dma2 semaphore(%run_scoped3A : memref<!tpu.dma_semaphore, #tpu.memory_space<semaphore_mem>>) src(%dma_wait3A_97 : memref<127x80xf32, #tpu.memory_space<vmem>>) dst(%dma_wait3A_94 : memref<127x80xf32, #tpu.memory_space<vmem_shared>>)
      tpu.yield
    }) : () -> ()
    %barrier3A = arith.constant 0 : index
    tpu.barrier barrier_id(%barrier3A)
    %dma_start3A_25 = arith.constant 0 : i32
    %dma_start3A_26 = arith.constant 0 : i32
    %dma_start3A_27 = arith.constant 0 : i32
    %dma_start3A_28 = tpu.memref_slice %arg3[%arg1, %dma_start3A_25, %dma_start3A_26, %dma_start3A_27] : memref<16x40x4x128xi32, #tpu.memory_space<hbm>> -> memref<1x1x4x128xi32, #tpu.memory_space<hbm>>
    %dma_start3A_29 = tpu.memref_squeeze %dma_start3A_28 : memref<1x1x4x128xi32, #tpu.memory_space<hbm>> -> memref<4x128xi32, #tpu.memory_space<hbm>>
    %dma_start3A_30 = arith.constant 0 : i32
    %dma_start3A_31 = arith.constant 0 : i32
    %dma_start3A_32 = tpu.memref_slice %arg3[%arg1, %dma_start3A_25, %dma_start3A_30, %dma_start3A_31] : memref<16x40x4x128xi32, #tpu.memory_space<hbm>> -> memref<1x1x4x128xi32, #tpu.memory_space<hbm>>
    %dma_start3A_33 = tpu.memref_squeeze %dma_start3A_32 : memref<1x1x4x128xi32, #tpu.memory_space<hbm>> -> memref<4x128xi32, #tpu.memory_space<hbm>>
    tpu.enqueue_dma source(%dma_start3A_33 : memref<4x128xi32, #tpu.memory_space<hbm>>) target(%arg6 : memref<4x128xi32, #tpu.memory_space<vmem>>) target_semaphore(%arg16 : memref<!tpu.dma_semaphore, #tpu.memory_space<semaphore_mem>>)
    %dma_start3A_34 = arith.constant 0 : i32
    %dma_start3A_35 = arith.constant 0 : i32
    %dma_start3A_36 = arith.constant 0 : i32
    %dma_start3A_37 = tpu.memref_slice %arg4[%arg1, %dma_start3A_34, %dma_start3A_35, %dma_start3A_36] : memref<16x40x4x128xi32, #tpu.memory_space<hbm>> -> memref<1x1x4x128xi32, #tpu.memory_space<hbm>>
    %dma_start3A_38 = tpu.memref_squeeze %dma_start3A_37 : memref<1x1x4x128xi32, #tpu.memory_space<hbm>> -> memref<4x128xi32, #tpu.memory_space<hbm>>
    %dma_start3A_39 = arith.constant 0 : i32
    %dma_start3A_40 = arith.constant 0 : i32
    %dma_start3A_41 = tpu.memref_slice %arg4[%arg1, %dma_start3A_34, %dma_start3A_39, %dma_start3A_40] : memref<16x40x4x128xi32, #tpu.memory_space<hbm>> -> memref<1x1x4x128xi32, #tpu.memory_space<hbm>>
    %dma_start3A_42 = tpu.memref_squeeze %dma_start3A_41 : memref<1x1x4x128xi32, #tpu.memory_space<hbm>> -> memref<4x128xi32, #tpu.memory_space<hbm>>
    tpu.enqueue_dma source(%dma_start3A_42 : memref<4x128xi32, #tpu.memory_space<hbm>>) target(%arg8 : memref<4x128xi32, #tpu.memory_space<vmem>>) target_semaphore(%arg16 : memref<!tpu.dma_semaphore, #tpu.memory_space<semaphore_mem>>)
    %dma_wait3A_43 = arith.constant 0 : i32
    %dma_wait3A_44 = arith.constant 0 : i32
    %dma_wait3A_45 = arith.constant 0 : i32
    %dma_wait3A_46 = tpu.memref_slice %arg3[%arg1, %dma_wait3A_43, %dma_wait3A_44, %dma_wait3A_45] : memref<16x40x4x128xi32, #tpu.memory_space<hbm>> -> memref<1x1x4x128xi32, #tpu.memory_space<hbm>>
    %dma_wait3A_47 = tpu.memref_squeeze %dma_wait3A_46 : memref<1x1x4x128xi32, #tpu.memory_space<hbm>> -> memref<4x128xi32, #tpu.memory_space<hbm>>
    %dma_wait3A_48 = arith.constant 0 : i32
    %dma_wait3A_49 = arith.constant 0 : i32
    %dma_wait3A_50 = tpu.memref_slice %arg3[%arg1, %dma_wait3A_43, %dma_wait3A_48, %dma_wait3A_49] : memref<16x40x4x128xi32, #tpu.memory_space<hbm>> -> memref<1x1x4x128xi32, #tpu.memory_space<hbm>>
    %dma_wait3A_51 = tpu.memref_squeeze %dma_wait3A_50 : memref<1x1x4x128xi32, #tpu.memory_space<hbm>> -> memref<4x128xi32, #tpu.memory_space<hbm>>
    tpu.wait_dma2 semaphore(%arg16 : memref<!tpu.dma_semaphore, #tpu.memory_space<semaphore_mem>>) src(%dma_wait3A_51 : memref<4x128xi32, #tpu.memory_space<hbm>>) dst(%arg6 : memref<4x128xi32, #tpu.memory_space<vmem>>)
    %dma_wait3A_52 = arith.constant 0 : i32
    %dma_wait3A_53 = arith.constant 0 : i32
    %dma_wait3A_54 = arith.constant 0 : i32
    %dma_wait3A_55 = tpu.memref_slice %arg4[%arg1, %dma_wait3A_52, %dma_wait3A_53, %dma_wait3A_54] : memref<16x40x4x128xi32, #tpu.memory_space<hbm>> -> memref<1x1x4x128xi32, #tpu.memory_space<hbm>>
    %dma_wait3A_56 = tpu.memref_squeeze %dma_wait3A_55 : memref<1x1x4x128xi32, #tpu.memory_space<hbm>> -> memref<4x128xi32, #tpu.memory_space<hbm>>
    %dma_wait3A_57 = arith.constant 0 : i32
    %dma_wait3A_58 = arith.constant 0 : i32
    %dma_wait3A_59 = tpu.memref_slice %arg4[%arg1, %dma_wait3A_52, %dma_wait3A_57, %dma_wait3A_58] : memref<16x40x4x128xi32, #tpu.memory_space<hbm>> -> memref<1x1x4x128xi32, #tpu.memory_space<hbm>>
    %dma_wait3A_60 = tpu.memref_squeeze %dma_wait3A_59 : memref<1x1x4x128xi32, #tpu.memory_space<hbm>> -> memref<4x128xi32, #tpu.memory_space<hbm>>
    tpu.wait_dma2 semaphore(%arg16 : memref<!tpu.dma_semaphore, #tpu.memory_space<semaphore_mem>>) src(%dma_wait3A_60 : memref<4x128xi32, #tpu.memory_space<hbm>>) dst(%arg8 : memref<4x128xi32, #tpu.memory_space<vmem>>)
    %dma_start3A_61 = arith.constant 0 : i32
    %dma_start3A_62 = arith.constant 0 : i32
    %dma_start3A_63 = tpu.memref_slice %arg6[%dma_start3A_61, %dma_start3A_62] : memref<4x128xi32, #tpu.memory_space<vmem>> -> memref<1x128xi32, #tpu.memory_space<vmem>>
    %dma_start3A_64 = tpu.memref_squeeze %dma_start3A_63 : memref<1x128xi32, #tpu.memory_space<vmem>> -> memref<128xi32, #tpu.memory_space<vmem>>
    %dma_start3A_65 = arith.constant 0 : i32
    %dma_start3A_66 = arith.constant 0 : i32
    %dma_start3A_67 = tpu.memref_slice %arg12[%dma_start3A_65, %dma_start3A_66] : memref<10000x80xf32, #tpu.memory_space<vmem_shared>> -> memref<10000x80xf32, #tpu.memory_space<vmem_shared>>
    tpu.enqueue_indirect_dma source(%dma_start3A_67 : memref<10000x80xf32, #tpu.memory_space<vmem_shared>>) target(%arg10 : memref<128x80xf32, #tpu.memory_space<vmem>>) offsets(%dma_start3A_64 : memref<128xi32, #tpu.memory_space<vmem>>) semaphore(%arg14 : memref<!tpu.dma_semaphore, #tpu.memory_space<semaphore_mem>>)
    %scan3A_68 = arith.constant 0 : i32
    %scan3A_69 = arith.constant 0 : i32
    %scan3A_70 = arith.constant 20 : i32
    %scan3A_71 = arith.addi %scan3A_69, %scan3A_70 : i32
    %scan3A_72 = arith.constant 1 : i32
    scf.for %scan3A_78 = %scan3A_69 to %scan3A_71 step %scan3A_72  : i32 {
      %mul3A_79 = arith.constant 2 : i32
      %mul3A_80 = arith.muli %mul3A_79, %scan3A_78 : i32
      %add3A_81 = arith.constant 1 : i32
      %add3A_82 = arith.addi %mul3A_80, %add3A_81 : i32
      %lt3A = arith.constant 40 : i32
      %lt3A_83 = arith.cmpi slt, %add3A_82, %lt3A : i32
      %convert_element_type3A = arith.extui %lt3A_83 : i1 to i32
      %cond3A = arith.constant 0 : i32
      %cond3A_84 = arith.cmpi ne, %convert_element_type3A, %cond3A : i32
      scf.if %cond3A_84 {
        %add3A_320 = arith.constant 1 : i32
        %add3A_321 = arith.addi %mul3A_80, %add3A_320 : i32
        %dma_start3A_322 = arith.constant 0 : i32
        %dma_start3A_323 = arith.constant 0 : i32
        %dma_start3A_324 = tpu.memref_slice %arg3[%arg1, %add3A_321, %dma_start3A_322, %dma_start3A_323] : memref<16x40x4x128xi32, #tpu.memory_space<hbm>> -> memref<1x1x4x128xi32, #tpu.memory_space<hbm>>
        %dma_start3A_325 = tpu.memref_squeeze %dma_start3A_324 : memref<1x1x4x128xi32, #tpu.memory_space<hbm>> -> memref<4x128xi32, #tpu.memory_space<hbm>>
        %dma_start3A_326 = arith.constant 0 : i32
        %dma_start3A_327 = arith.constant 0 : i32
        %dma_start3A_328 = tpu.memref_slice %arg3[%arg1, %add3A_321, %dma_start3A_326, %dma_start3A_327] : memref<16x40x4x128xi32, #tpu.memory_space<hbm>> -> memref<1x1x4x128xi32, #tpu.memory_space<hbm>>
        %dma_start3A_329 = tpu.memref_squeeze %dma_start3A_328 : memref<1x1x4x128xi32, #tpu.memory_space<hbm>> -> memref<4x128xi32, #tpu.memory_space<hbm>>
        tpu.enqueue_dma source(%dma_start3A_329 : memref<4x128xi32, #tpu.memory_space<hbm>>) target(%arg7 : memref<4x128xi32, #tpu.memory_space<vmem>>) target_semaphore(%arg17 : memref<!tpu.dma_semaphore, #tpu.memory_space<semaphore_mem>>)
        %dma_start3A_330 = arith.constant 0 : i32
        %dma_start3A_331 = arith.constant 0 : i32
        %dma_start3A_332 = tpu.memref_slice %arg4[%arg1, %add3A_321, %dma_start3A_330, %dma_start3A_331] : memref<16x40x4x128xi32, #tpu.memory_space<hbm>> -> memref<1x1x4x128xi32, #tpu.memory_space<hbm>>
        %dma_start3A_333 = tpu.memref_squeeze %dma_start3A_332 : memref<1x1x4x128xi32, #tpu.memory_space<hbm>> -> memref<4x128xi32, #tpu.memory_space<hbm>>
        %dma_start3A_334 = arith.constant 0 : i32
        %dma_start3A_335 = arith.constant 0 : i32
        %dma_start3A_336 = tpu.memref_slice %arg4[%arg1, %add3A_321, %dma_start3A_334, %dma_start3A_335] : memref<16x40x4x128xi32, #tpu.memory_space<hbm>> -> memref<1x1x4x128xi32, #tpu.memory_space<hbm>>
        %dma_start3A_337 = tpu.memref_squeeze %dma_start3A_336 : memref<1x1x4x128xi32, #tpu.memory_space<hbm>> -> memref<4x128xi32, #tpu.memory_space<hbm>>
        tpu.enqueue_dma source(%dma_start3A_337 : memref<4x128xi32, #tpu.memory_space<hbm>>) target(%arg9 : memref<4x128xi32, #tpu.memory_space<vmem>>) target_semaphore(%arg17 : memref<!tpu.dma_semaphore, #tpu.memory_space<semaphore_mem>>)
      } else {
      }
      %dma_wait3A_85 = arith.constant 0 : i32
      %dma_wait3A_86 = arith.constant 0 : i32
      %dma_wait3A_87 = tpu.memref_slice %arg6[%dma_wait3A_85, %dma_wait3A_86] : memref<4x128xi32, #tpu.memory_space<vmem>> -> memref<1x128xi32, #tpu.memory_space<vmem>>
      %dma_wait3A_88 = tpu.memref_squeeze %dma_wait3A_87 : memref<1x128xi32, #tpu.memory_space<vmem>> -> memref<128xi32, #tpu.memory_space<vmem>>
      %dma_wait3A_89 = arith.constant 0 : i32
      %dma_wait3A_90 = arith.constant 0 : i32
      %dma_wait3A_91 = tpu.memref_slice %arg12[%dma_wait3A_89, %dma_wait3A_90] : memref<10000x80xf32, #tpu.memory_space<vmem_shared>> -> memref<10000x80xf32, #tpu.memory_space<vmem_shared>>
      tpu.wait_indirect_dma semaphore(%arg14 : memref<!tpu.dma_semaphore, #tpu.memory_space<semaphore_mem>>) src(%dma_wait3A_91 : memref<10000x80xf32, #tpu.memory_space<vmem_shared>>) dst(%arg10 : memref<128x80xf32, #tpu.memory_space<vmem>>)
      %dma_start3A_92 = arith.constant 0 : i32
      %dma_start3A_93 = arith.constant 0 : i32
      %dma_start3A_94 = tpu.memref_slice %arg8[%dma_start3A_92, %dma_start3A_93] : memref<4x128xi32, #tpu.memory_space<vmem>> -> memref<1x128xi32, #tpu.memory_space<vmem>>
      %dma_start3A_95 = tpu.memref_squeeze %dma_start3A_94 : memref<1x128xi32, #tpu.memory_space<vmem>> -> memref<128xi32, #tpu.memory_space<vmem>>
      %dma_start3A_96 = arith.constant 0 : i32
      %dma_start3A_97 = arith.constant 0 : i32
      %dma_start3A_98 = tpu.memref_slice %arg13[%dma_start3A_96, %dma_start3A_97] : memref<10224x80xf32, #tpu.memory_space<vmem_shared>> -> memref<10224x80xf32, #tpu.memory_space<vmem_shared>>
      tpu.enqueue_indirect_dma source(%arg10 : memref<128x80xf32, #tpu.memory_space<vmem>>) target(%dma_start3A_98 : memref<10224x80xf32, #tpu.memory_space<vmem_shared>>) offsets(%dma_start3A_95 : memref<128xi32, #tpu.memory_space<vmem>>) semaphore(%arg18 : memref<!tpu.dma_semaphore, #tpu.memory_space<semaphore_mem>>) {add = true}
      %dma_start3A_99 = arith.constant 1 : i32
      %dma_start3A_100 = arith.constant 0 : i32
      %dma_start3A_101 = tpu.memref_slice %arg6[%dma_start3A_99, %dma_start3A_100] : memref<4x128xi32, #tpu.memory_space<vmem>> -> memref<1x128xi32, #tpu.memory_space<vmem>>
      %dma_start3A_102 = tpu.memref_squeeze %dma_start3A_101 : memref<1x128xi32, #tpu.memory_space<vmem>> -> memref<128xi32, #tpu.memory_space<vmem>>
      %dma_start3A_103 = arith.constant 0 : i32
      %dma_start3A_104 = arith.constant 0 : i32
      %dma_start3A_105 = tpu.memref_slice %arg12[%dma_start3A_103, %dma_start3A_104] : memref<10000x80xf32, #tpu.memory_space<vmem_shared>> -> memref<10000x80xf32, #tpu.memory_space<vmem_shared>>
      tpu.enqueue_indirect_dma source(%dma_start3A_105 : memref<10000x80xf32, #tpu.memory_space<vmem_shared>>) target(%arg11 : memref<128x80xf32, #tpu.memory_space<vmem>>) offsets(%dma_start3A_102 : memref<128xi32, #tpu.memory_space<vmem>>) semaphore(%arg15 : memref<!tpu.dma_semaphore, #tpu.memory_space<semaphore_mem>>)
      %dma_wait3A_106 = arith.constant 0 : i32
      %dma_wait3A_107 = arith.constant 0 : i32
      %dma_wait3A_108 = tpu.memref_slice %arg8[%dma_wait3A_106, %dma_wait3A_107] : memref<4x128xi32, #tpu.memory_space<vmem>> -> memref<1x128xi32, #tpu.memory_space<vmem>>
      %dma_wait3A_109 = tpu.memref_squeeze %dma_wait3A_108 : memref<1x128xi32, #tpu.memory_space<vmem>> -> memref<128xi32, #tpu.memory_space<vmem>>
      %dma_wait3A_110 = arith.constant 0 : i32
      %dma_wait3A_111 = arith.constant 0 : i32
      %dma_wait3A_112 = tpu.memref_slice %arg13[%dma_wait3A_110, %dma_wait3A_111] : memref<10224x80xf32, #tpu.memory_space<vmem_shared>> -> memref<10224x80xf32, #tpu.memory_space<vmem_shared>>
      tpu.wait_indirect_dma semaphore(%arg18 : memref<!tpu.dma_semaphore, #tpu.memory_space<semaphore_mem>>) src(%arg10 : memref<128x80xf32, #tpu.memory_space<vmem>>) dst(%dma_wait3A_112 : memref<10224x80xf32, #tpu.memory_space<vmem_shared>>)
      %dma_wait3A_113 = arith.constant 1 : i32
      %dma_wait3A_114 = arith.constant 0 : i32
      %dma_wait3A_115 = tpu.memref_slice %arg6[%dma_wait3A_113, %dma_wait3A_114] : memref<4x128xi32, #tpu.memory_space<vmem>> -> memref<1x128xi32, #tpu.memory_space<vmem>>
      %dma_wait3A_116 = tpu.memref_squeeze %dma_wait3A_115 : memref<1x128xi32, #tpu.memory_space<vmem>> -> memref<128xi32, #tpu.memory_space<vmem>>
      %dma_wait3A_117 = arith.constant 0 : i32
      %dma_wait3A_118 = arith.constant 0 : i32
      %dma_wait3A_119 = tpu.memref_slice %arg12[%dma_wait3A_117, %dma_wait3A_118] : memref<10000x80xf32, #tpu.memory_space<vmem_shared>> -> memref<10000x80xf32, #tpu.memory_space<vmem_shared>>
      tpu.wait_indirect_dma semaphore(%arg15 : memref<!tpu.dma_semaphore, #tpu.memory_space<semaphore_mem>>) src(%dma_wait3A_119 : memref<10000x80xf32, #tpu.memory_space<vmem_shared>>) dst(%arg11 : memref<128x80xf32, #tpu.memory_space<vmem>>)
      %dma_start3A_120 = arith.constant 1 : i32
      %dma_start3A_121 = arith.constant 0 : i32
      %dma_start3A_122 = tpu.memref_slice %arg8[%dma_start3A_120, %dma_start3A_121] : memref<4x128xi32, #tpu.memory_space<vmem>> -> memref<1x128xi32, #tpu.memory_space<vmem>>
      %dma_start3A_123 = tpu.memref_squeeze %dma_start3A_122 : memref<1x128xi32, #tpu.memory_space<vmem>> -> memref<128xi32, #tpu.memory_space<vmem>>
      %dma_start3A_124 = arith.constant 0 : i32
      %dma_start3A_125 = arith.constant 0 : i32
      %dma_start3A_126 = tpu.memref_slice %arg13[%dma_start3A_124, %dma_start3A_125] : memref<10224x80xf32, #tpu.memory_space<vmem_shared>> -> memref<10224x80xf32, #tpu.memory_space<vmem_shared>>
      tpu.enqueue_indirect_dma source(%arg11 : memref<128x80xf32, #tpu.memory_space<vmem>>) target(%dma_start3A_126 : memref<10224x80xf32, #tpu.memory_space<vmem_shared>>) offsets(%dma_start3A_123 : memref<128xi32, #tpu.memory_space<vmem>>) semaphore(%arg18 : memref<!tpu.dma_semaphore, #tpu.memory_space<semaphore_mem>>) {add = true}
      %dma_start3A_127 = arith.constant 2 : i32
      %dma_start3A_128 = arith.constant 0 : i32
      %dma_start3A_129 = tpu.memref_slice %arg6[%dma_start3A_127, %dma_start3A_128] : memref<4x128xi32, #tpu.memory_space<vmem>> -> memref<1x128xi32, #tpu.memory_space<vmem>>
      %dma_start3A_130 = tpu.memref_squeeze %dma_start3A_129 : memref<1x128xi32, #tpu.memory_space<vmem>> -> memref<128xi32, #tpu.memory_space<vmem>>
      %dma_start3A_131 = arith.constant 0 : i32
      %dma_start3A_132 = arith.constant 0 : i32
      %dma_start3A_133 = tpu.memref_slice %arg12[%dma_start3A_131, %dma_start3A_132] : memref<10000x80xf32, #tpu.memory_space<vmem_shared>> -> memref<10000x80xf32, #tpu.memory_space<vmem_shared>>
      tpu.enqueue_indirect_dma source(%dma_start3A_133 : memref<10000x80xf32, #tpu.memory_space<vmem_shared>>) target(%arg10 : memref<128x80xf32, #tpu.memory_space<vmem>>) offsets(%dma_start3A_130 : memref<128xi32, #tpu.memory_space<vmem>>) semaphore(%arg14 : memref<!tpu.dma_semaphore, #tpu.memory_space<semaphore_mem>>)
      %dma_wait3A_134 = arith.constant 1 : i32
      %dma_wait3A_135 = arith.constant 0 : i32
      %dma_wait3A_136 = tpu.memref_slice %arg8[%dma_wait3A_134, %dma_wait3A_135] : memref<4x128xi32, #tpu.memory_space<vmem>> -> memref<1x128xi32, #tpu.memory_space<vmem>>
      %dma_wait3A_137 = tpu.memref_squeeze %dma_wait3A_136 : memref<1x128xi32, #tpu.memory_space<vmem>> -> memref<128xi32, #tpu.memory_space<vmem>>
      %dma_wait3A_138 = arith.constant 0 : i32
      %dma_wait3A_139 = arith.constant 0 : i32
      %dma_wait3A_140 = tpu.memref_slice %arg13[%dma_wait3A_138, %dma_wait3A_139] : memref<10224x80xf32, #tpu.memory_space<vmem_shared>> -> memref<10224x80xf32, #tpu.memory_space<vmem_shared>>
      tpu.wait_indirect_dma semaphore(%arg18 : memref<!tpu.dma_semaphore, #tpu.memory_space<semaphore_mem>>) src(%arg11 : memref<128x80xf32, #tpu.memory_space<vmem>>) dst(%dma_wait3A_140 : memref<10224x80xf32, #tpu.memory_space<vmem_shared>>)
      %dma_wait3A_141 = arith.constant 2 : i32
      %dma_wait3A_142 = arith.constant 0 : i32
      %dma_wait3A_143 = tpu.memref_slice %arg6[%dma_wait3A_141, %dma_wait3A_142] : memref<4x128xi32, #tpu.memory_space<vmem>> -> memref<1x128xi32, #tpu.memory_space<vmem>>
      %dma_wait3A_144 = tpu.memref_squeeze %dma_wait3A_143 : memref<1x128xi32, #tpu.memory_space<vmem>> -> memref<128xi32, #tpu.memory_space<vmem>>
      %dma_wait3A_145 = arith.constant 0 : i32
      %dma_wait3A_146 = arith.constant 0 : i32
      %dma_wait3A_147 = tpu.memref_slice %arg12[%dma_wait3A_145, %dma_wait3A_146] : memref<10000x80xf32, #tpu.memory_space<vmem_shared>> -> memref<10000x80xf32, #tpu.memory_space<vmem_shared>>
      tpu.wait_indirect_dma semaphore(%arg14 : memref<!tpu.dma_semaphore, #tpu.memory_space<semaphore_mem>>) src(%dma_wait3A_147 : memref<10000x80xf32, #tpu.memory_space<vmem_shared>>) dst(%arg10 : memref<128x80xf32, #tpu.memory_space<vmem>>)
      %dma_start3A_148 = arith.constant 2 : i32
      %dma_start3A_149 = arith.constant 0 : i32
      %dma_start3A_150 = tpu.memref_slice %arg8[%dma_start3A_148, %dma_start3A_149] : memref<4x128xi32, #tpu.memory_space<vmem>> -> memref<1x128xi32, #tpu.memory_space<vmem>>
      %dma_start3A_151 = tpu.memref_squeeze %dma_start3A_150 : memref<1x128xi32, #tpu.memory_space<vmem>> -> memref<128xi32, #tpu.memory_space<vmem>>
      %dma_start3A_152 = arith.constant 0 : i32
      %dma_start3A_153 = arith.constant 0 : i32
      %dma_start3A_154 = tpu.memref_slice %arg13[%dma_start3A_152, %dma_start3A_153] : memref<10224x80xf32, #tpu.memory_space<vmem_shared>> -> memref<10224x80xf32, #tpu.memory_space<vmem_shared>>
      tpu.enqueue_indirect_dma source(%arg10 : memref<128x80xf32, #tpu.memory_space<vmem>>) target(%dma_start3A_154 : memref<10224x80xf32, #tpu.memory_space<vmem_shared>>) offsets(%dma_start3A_151 : memref<128xi32, #tpu.memory_space<vmem>>) semaphore(%arg18 : memref<!tpu.dma_semaphore, #tpu.memory_space<semaphore_mem>>) {add = true}
      %dma_start3A_155 = arith.constant 3 : i32
      %dma_start3A_156 = arith.constant 0 : i32
      %dma_start3A_157 = tpu.memref_slice %arg6[%dma_start3A_155, %dma_start3A_156] : memref<4x128xi32, #tpu.memory_space<vmem>> -> memref<1x128xi32, #tpu.memory_space<vmem>>
      %dma_start3A_158 = tpu.memref_squeeze %dma_start3A_157 : memref<1x128xi32, #tpu.memory_space<vmem>> -> memref<128xi32, #tpu.memory_space<vmem>>
      %dma_start3A_159 = arith.constant 0 : i32
      %dma_start3A_160 = arith.constant 0 : i32
      %dma_start3A_161 = tpu.memref_slice %arg12[%dma_start3A_159, %dma_start3A_160] : memref<10000x80xf32, #tpu.memory_space<vmem_shared>> -> memref<10000x80xf32, #tpu.memory_space<vmem_shared>>
      tpu.enqueue_indirect_dma source(%dma_start3A_161 : memref<10000x80xf32, #tpu.memory_space<vmem_shared>>) target(%arg11 : memref<128x80xf32, #tpu.memory_space<vmem>>) offsets(%dma_start3A_158 : memref<128xi32, #tpu.memory_space<vmem>>) semaphore(%arg15 : memref<!tpu.dma_semaphore, #tpu.memory_space<semaphore_mem>>)
      %dma_wait3A_162 = arith.constant 2 : i32
      %dma_wait3A_163 = arith.constant 0 : i32
      %dma_wait3A_164 = tpu.memref_slice %arg8[%dma_wait3A_162, %dma_wait3A_163] : memref<4x128xi32, #tpu.memory_space<vmem>> -> memref<1x128xi32, #tpu.memory_space<vmem>>
      %dma_wait3A_165 = tpu.memref_squeeze %dma_wait3A_164 : memref<1x128xi32, #tpu.memory_space<vmem>> -> memref<128xi32, #tpu.memory_space<vmem>>
      %dma_wait3A_166 = arith.constant 0 : i32
      %dma_wait3A_167 = arith.constant 0 : i32
      %dma_wait3A_168 = tpu.memref_slice %arg13[%dma_wait3A_166, %dma_wait3A_167] : memref<10224x80xf32, #tpu.memory_space<vmem_shared>> -> memref<10224x80xf32, #tpu.memory_space<vmem_shared>>
      tpu.wait_indirect_dma semaphore(%arg18 : memref<!tpu.dma_semaphore, #tpu.memory_space<semaphore_mem>>) src(%arg10 : memref<128x80xf32, #tpu.memory_space<vmem>>) dst(%dma_wait3A_168 : memref<10224x80xf32, #tpu.memory_space<vmem_shared>>)
      %dma_wait3A_169 = arith.constant 3 : i32
      %dma_wait3A_170 = arith.constant 0 : i32
      %dma_wait3A_171 = tpu.memref_slice %arg6[%dma_wait3A_169, %dma_wait3A_170] : memref<4x128xi32, #tpu.memory_space<vmem>> -> memref<1x128xi32, #tpu.memory_space<vmem>>
      %dma_wait3A_172 = tpu.memref_squeeze %dma_wait3A_171 : memref<1x128xi32, #tpu.memory_space<vmem>> -> memref<128xi32, #tpu.memory_space<vmem>>
      %dma_wait3A_173 = arith.constant 0 : i32
      %dma_wait3A_174 = arith.constant 0 : i32
      %dma_wait3A_175 = tpu.memref_slice %arg12[%dma_wait3A_173, %dma_wait3A_174] : memref<10000x80xf32, #tpu.memory_space<vmem_shared>> -> memref<10000x80xf32, #tpu.memory_space<vmem_shared>>
      tpu.wait_indirect_dma semaphore(%arg15 : memref<!tpu.dma_semaphore, #tpu.memory_space<semaphore_mem>>) src(%dma_wait3A_175 : memref<10000x80xf32, #tpu.memory_space<vmem_shared>>) dst(%arg11 : memref<128x80xf32, #tpu.memory_space<vmem>>)
      %dma_start3A_176 = arith.constant 3 : i32
      %dma_start3A_177 = arith.constant 0 : i32
      %dma_start3A_178 = tpu.memref_slice %arg8[%dma_start3A_176, %dma_start3A_177] : memref<4x128xi32, #tpu.memory_space<vmem>> -> memref<1x128xi32, #tpu.memory_space<vmem>>
      %dma_start3A_179 = tpu.memref_squeeze %dma_start3A_178 : memref<1x128xi32, #tpu.memory_space<vmem>> -> memref<128xi32, #tpu.memory_space<vmem>>
      %dma_start3A_180 = arith.constant 0 : i32
      %dma_start3A_181 = arith.constant 0 : i32
      %dma_start3A_182 = tpu.memref_slice %arg13[%dma_start3A_180, %dma_start3A_181] : memref<10224x80xf32, #tpu.memory_space<vmem_shared>> -> memref<10224x80xf32, #tpu.memory_space<vmem_shared>>
      tpu.enqueue_indirect_dma source(%arg11 : memref<128x80xf32, #tpu.memory_space<vmem>>) target(%dma_start3A_182 : memref<10224x80xf32, #tpu.memory_space<vmem_shared>>) offsets(%dma_start3A_179 : memref<128xi32, #tpu.memory_space<vmem>>) semaphore(%arg18 : memref<!tpu.dma_semaphore, #tpu.memory_space<semaphore_mem>>) {add = true}
      %add3A_183 = arith.constant 1 : i32
      %add3A_184 = arith.addi %mul3A_80, %add3A_183 : i32
      %lt3A_185 = arith.constant 40 : i32
      %lt3A_186 = arith.cmpi slt, %add3A_184, %lt3A_185 : i32
      %convert_element_type3A_187 = arith.extui %lt3A_186 : i1 to i32
      %cond3A_188 = arith.constant 0 : i32
      %cond3A_189 = arith.cmpi ne, %convert_element_type3A_187, %cond3A_188 : i32
      scf.if %cond3A_189 {
        %add3A_320 = arith.constant 1 : i32
        %add3A_321 = arith.addi %mul3A_80, %add3A_320 : i32
        %dma_wait3A_322 = arith.constant 0 : i32
        %dma_wait3A_323 = arith.constant 0 : i32
        %dma_wait3A_324 = tpu.memref_slice %arg3[%arg1, %add3A_321, %dma_wait3A_322, %dma_wait3A_323] : memref<16x40x4x128xi32, #tpu.memory_space<hbm>> -> memref<1x1x4x128xi32, #tpu.memory_space<hbm>>
        %dma_wait3A_325 = tpu.memref_squeeze %dma_wait3A_324 : memref<1x1x4x128xi32, #tpu.memory_space<hbm>> -> memref<4x128xi32, #tpu.memory_space<hbm>>
        %dma_wait3A_326 = arith.constant 0 : i32
        %dma_wait3A_327 = arith.constant 0 : i32
        %dma_wait3A_328 = tpu.memref_slice %arg3[%arg1, %add3A_321, %dma_wait3A_326, %dma_wait3A_327] : memref<16x40x4x128xi32, #tpu.memory_space<hbm>> -> memref<1x1x4x128xi32, #tpu.memory_space<hbm>>
        %dma_wait3A_329 = tpu.memref_squeeze %dma_wait3A_328 : memref<1x1x4x128xi32, #tpu.memory_space<hbm>> -> memref<4x128xi32, #tpu.memory_space<hbm>>
        tpu.wait_dma2 semaphore(%arg17 : memref<!tpu.dma_semaphore, #tpu.memory_space<semaphore_mem>>) src(%dma_wait3A_329 : memref<4x128xi32, #tpu.memory_space<hbm>>) dst(%arg7 : memref<4x128xi32, #tpu.memory_space<vmem>>)
        %dma_wait3A_330 = arith.constant 0 : i32
        %dma_wait3A_331 = arith.constant 0 : i32
        %dma_wait3A_332 = tpu.memref_slice %arg4[%arg1, %add3A_321, %dma_wait3A_330, %dma_wait3A_331] : memref<16x40x4x128xi32, #tpu.memory_space<hbm>> -> memref<1x1x4x128xi32, #tpu.memory_space<hbm>>
        %dma_wait3A_333 = tpu.memref_squeeze %dma_wait3A_332 : memref<1x1x4x128xi32, #tpu.memory_space<hbm>> -> memref<4x128xi32, #tpu.memory_space<hbm>>
        %dma_wait3A_334 = arith.constant 0 : i32
        %dma_wait3A_335 = arith.constant 0 : i32
        %dma_wait3A_336 = tpu.memref_slice %arg4[%arg1, %add3A_321, %dma_wait3A_334, %dma_wait3A_335] : memref<16x40x4x128xi32, #tpu.memory_space<hbm>> -> memref<1x1x4x128xi32, #tpu.memory_space<hbm>>
        %dma_wait3A_337 = tpu.memref_squeeze %dma_wait3A_336 : memref<1x1x4x128xi32, #tpu.memory_space<hbm>> -> memref<4x128xi32, #tpu.memory_space<hbm>>
        tpu.wait_dma2 semaphore(%arg17 : memref<!tpu.dma_semaphore, #tpu.memory_space<semaphore_mem>>) src(%dma_wait3A_337 : memref<4x128xi32, #tpu.memory_space<hbm>>) dst(%arg9 : memref<4x128xi32, #tpu.memory_space<vmem>>)
        %dma_start3A_338 = arith.constant 0 : i32
        %dma_start3A_339 = arith.constant 0 : i32
        %dma_start3A_340 = tpu.memref_slice %arg7[%dma_start3A_338, %dma_start3A_339] : memref<4x128xi32, #tpu.memory_space<vmem>> -> memref<1x128xi32, #tpu.memory_space<vmem>>
        %dma_start3A_341 = tpu.memref_squeeze %dma_start3A_340 : memref<1x128xi32, #tpu.memory_space<vmem>> -> memref<128xi32, #tpu.memory_space<vmem>>
        %dma_start3A_342 = arith.constant 0 : i32
        %dma_start3A_343 = arith.constant 0 : i32
        %dma_start3A_344 = tpu.memref_slice %arg12[%dma_start3A_342, %dma_start3A_343] : memref<10000x80xf32, #tpu.memory_space<vmem_shared>> -> memref<10000x80xf32, #tpu.memory_space<vmem_shared>>
        tpu.enqueue_indirect_dma source(%dma_start3A_344 : memref<10000x80xf32, #tpu.memory_space<vmem_shared>>) target(%arg10 : memref<128x80xf32, #tpu.memory_space<vmem>>) offsets(%dma_start3A_341 : memref<128xi32, #tpu.memory_space<vmem>>) semaphore(%arg14 : memref<!tpu.dma_semaphore, #tpu.memory_space<semaphore_mem>>)
      } else {
      }
      %dma_wait3A_190 = arith.constant 3 : i32
      %dma_wait3A_191 = arith.constant 0 : i32
      %dma_wait3A_192 = tpu.memref_slice %arg8[%dma_wait3A_190, %dma_wait3A_191] : memref<4x128xi32, #tpu.memory_space<vmem>> -> memref<1x128xi32, #tpu.memory_space<vmem>>
      %dma_wait3A_193 = tpu.memref_squeeze %dma_wait3A_192 : memref<1x128xi32, #tpu.memory_space<vmem>> -> memref<128xi32, #tpu.memory_space<vmem>>
      %dma_wait3A_194 = arith.constant 0 : i32
      %dma_wait3A_195 = arith.constant 0 : i32
      %dma_wait3A_196 = tpu.memref_slice %arg13[%dma_wait3A_194, %dma_wait3A_195] : memref<10224x80xf32, #tpu.memory_space<vmem_shared>> -> memref<10224x80xf32, #tpu.memory_space<vmem_shared>>
      tpu.wait_indirect_dma semaphore(%arg18 : memref<!tpu.dma_semaphore, #tpu.memory_space<semaphore_mem>>) src(%arg11 : memref<128x80xf32, #tpu.memory_space<vmem>>) dst(%dma_wait3A_196 : memref<10224x80xf32, #tpu.memory_space<vmem_shared>>)
      %mul3A_197 = arith.constant 2 : i32
      %mul3A_198 = arith.muli %mul3A_197, %scan3A_78 : i32
      %add3A_199 = arith.constant 1 : i32
      %add3A_200 = arith.addi %mul3A_198, %add3A_199 : i32
      %add3A_201 = arith.constant 1 : i32
      %add3A_202 = arith.addi %add3A_200, %add3A_201 : i32
      %lt3A_203 = arith.constant 40 : i32
      %lt3A_204 = arith.cmpi slt, %add3A_202, %lt3A_203 : i32
      %convert_element_type3A_205 = arith.extui %lt3A_204 : i1 to i32
      %cond3A_206 = arith.constant 0 : i32
      %cond3A_207 = arith.cmpi ne, %convert_element_type3A_205, %cond3A_206 : i32
      scf.if %cond3A_207 {
        %add3A_320 = arith.constant 1 : i32
        %add3A_321 = arith.addi %add3A_200, %add3A_320 : i32
        %dma_start3A_322 = arith.constant 0 : i32
        %dma_start3A_323 = arith.constant 0 : i32
        %dma_start3A_324 = tpu.memref_slice %arg3[%arg1, %add3A_321, %dma_start3A_322, %dma_start3A_323] : memref<16x40x4x128xi32, #tpu.memory_space<hbm>> -> memref<1x1x4x128xi32, #tpu.memory_space<hbm>>
        %dma_start3A_325 = tpu.memref_squeeze %dma_start3A_324 : memref<1x1x4x128xi32, #tpu.memory_space<hbm>> -> memref<4x128xi32, #tpu.memory_space<hbm>>
        %dma_start3A_326 = arith.constant 0 : i32
        %dma_start3A_327 = arith.constant 0 : i32
        %dma_start3A_328 = tpu.memref_slice %arg3[%arg1, %add3A_321, %dma_start3A_326, %dma_start3A_327] : memref<16x40x4x128xi32, #tpu.memory_space<hbm>> -> memref<1x1x4x128xi32, #tpu.memory_space<hbm>>
        %dma_start3A_329 = tpu.memref_squeeze %dma_start3A_328 : memref<1x1x4x128xi32, #tpu.memory_space<hbm>> -> memref<4x128xi32, #tpu.memory_space<hbm>>
        tpu.enqueue_dma source(%dma_start3A_329 : memref<4x128xi32, #tpu.memory_space<hbm>>) target(%arg6 : memref<4x128xi32, #tpu.memory_space<vmem>>) target_semaphore(%arg16 : memref<!tpu.dma_semaphore, #tpu.memory_space<semaphore_mem>>)
        %dma_start3A_330 = arith.constant 0 : i32
        %dma_start3A_331 = arith.constant 0 : i32
        %dma_start3A_332 = tpu.memref_slice %arg4[%arg1, %add3A_321, %dma_start3A_330, %dma_start3A_331] : memref<16x40x4x128xi32, #tpu.memory_space<hbm>> -> memref<1x1x4x128xi32, #tpu.memory_space<hbm>>
        %dma_start3A_333 = tpu.memref_squeeze %dma_start3A_332 : memref<1x1x4x128xi32, #tpu.memory_space<hbm>> -> memref<4x128xi32, #tpu.memory_space<hbm>>
        %dma_start3A_334 = arith.constant 0 : i32
        %dma_start3A_335 = arith.constant 0 : i32
        %dma_start3A_336 = tpu.memref_slice %arg4[%arg1, %add3A_321, %dma_start3A_334, %dma_start3A_335] : memref<16x40x4x128xi32, #tpu.memory_space<hbm>> -> memref<1x1x4x128xi32, #tpu.memory_space<hbm>>
        %dma_start3A_337 = tpu.memref_squeeze %dma_start3A_336 : memref<1x1x4x128xi32, #tpu.memory_space<hbm>> -> memref<4x128xi32, #tpu.memory_space<hbm>>
        tpu.enqueue_dma source(%dma_start3A_337 : memref<4x128xi32, #tpu.memory_space<hbm>>) target(%arg8 : memref<4x128xi32, #tpu.memory_space<vmem>>) target_semaphore(%arg16 : memref<!tpu.dma_semaphore, #tpu.memory_space<semaphore_mem>>)
      } else {
      }
      %dma_wait3A_208 = arith.constant 0 : i32
      %dma_wait3A_209 = arith.constant 0 : i32
      %dma_wait3A_210 = tpu.memref_slice %arg7[%dma_wait3A_208, %dma_wait3A_209] : memref<4x128xi32, #tpu.memory_space<vmem>> -> memref<1x128xi32, #tpu.memory_space<vmem>>
      %dma_wait3A_211 = tpu.memref_squeeze %dma_wait3A_210 : memref<1x128xi32, #tpu.memory_space<vmem>> -> memref<128xi32, #tpu.memory_space<vmem>>
      %dma_wait3A_212 = arith.constant 0 : i32
      %dma_wait3A_213 = arith.constant 0 : i32
      %dma_wait3A_214 = tpu.memref_slice %arg12[%dma_wait3A_212, %dma_wait3A_213] : memref<10000x80xf32, #tpu.memory_space<vmem_shared>> -> memref<10000x80xf32, #tpu.memory_space<vmem_shared>>
      tpu.wait_indirect_dma semaphore(%arg14 : memref<!tpu.dma_semaphore, #tpu.memory_space<semaphore_mem>>) src(%dma_wait3A_214 : memref<10000x80xf32, #tpu.memory_space<vmem_shared>>) dst(%arg10 : memref<128x80xf32, #tpu.memory_space<vmem>>)
      %dma_start3A_215 = arith.constant 0 : i32
      %dma_start3A_216 = arith.constant 0 : i32
      %dma_start3A_217 = tpu.memref_slice %arg9[%dma_start3A_215, %dma_start3A_216] : memref<4x128xi32, #tpu.memory_space<vmem>> -> memref<1x128xi32, #tpu.memory_space<vmem>>
      %dma_start3A_218 = tpu.memref_squeeze %dma_start3A_217 : memref<1x128xi32, #tpu.memory_space<vmem>> -> memref<128xi32, #tpu.memory_space<vmem>>
      %dma_start3A_219 = arith.constant 0 : i32
      %dma_start3A_220 = arith.constant 0 : i32
      %dma_start3A_221 = tpu.memref_slice %arg13[%dma_start3A_219, %dma_start3A_220] : memref<10224x80xf32, #tpu.memory_space<vmem_shared>> -> memref<10224x80xf32, #tpu.memory_space<vmem_shared>>
      tpu.enqueue_indirect_dma source(%arg10 : memref<128x80xf32, #tpu.memory_space<vmem>>) target(%dma_start3A_221 : memref<10224x80xf32, #tpu.memory_space<vmem_shared>>) offsets(%dma_start3A_218 : memref<128xi32, #tpu.memory_space<vmem>>) semaphore(%arg18 : memref<!tpu.dma_semaphore, #tpu.memory_space<semaphore_mem>>) {add = true}
      %dma_start3A_222 = arith.constant 1 : i32
      %dma_start3A_223 = arith.constant 0 : i32
      %dma_start3A_224 = tpu.memref_slice %arg7[%dma_start3A_222, %dma_start3A_223] : memref<4x128xi32, #tpu.memory_space<vmem>> -> memref<1x128xi32, #tpu.memory_space<vmem>>
      %dma_start3A_225 = tpu.memref_squeeze %dma_start3A_224 : memref<1x128xi32, #tpu.memory_space<vmem>> -> memref<128xi32, #tpu.memory_space<vmem>>
      %dma_start3A_226 = arith.constant 0 : i32
      %dma_start3A_227 = arith.constant 0 : i32
      %dma_start3A_228 = tpu.memref_slice %arg12[%dma_start3A_226, %dma_start3A_227] : memref<10000x80xf32, #tpu.memory_space<vmem_shared>> -> memref<10000x80xf32, #tpu.memory_space<vmem_shared>>
      tpu.enqueue_indirect_dma source(%dma_start3A_228 : memref<10000x80xf32, #tpu.memory_space<vmem_shared>>) target(%arg11 : memref<128x80xf32, #tpu.memory_space<vmem>>) offsets(%dma_start3A_225 : memref<128xi32, #tpu.memory_space<vmem>>) semaphore(%arg15 : memref<!tpu.dma_semaphore, #tpu.memory_space<semaphore_mem>>)
      %dma_wait3A_229 = arith.constant 0 : i32
      %dma_wait3A_230 = arith.constant 0 : i32
      %dma_wait3A_231 = tpu.memref_slice %arg9[%dma_wait3A_229, %dma_wait3A_230] : memref<4x128xi32, #tpu.memory_space<vmem>> -> memref<1x128xi32, #tpu.memory_space<vmem>>
      %dma_wait3A_232 = tpu.memref_squeeze %dma_wait3A_231 : memref<1x128xi32, #tpu.memory_space<vmem>> -> memref<128xi32, #tpu.memory_space<vmem>>
      %dma_wait3A_233 = arith.constant 0 : i32
      %dma_wait3A_234 = arith.constant 0 : i32
      %dma_wait3A_235 = tpu.memref_slice %arg13[%dma_wait3A_233, %dma_wait3A_234] : memref<10224x80xf32, #tpu.memory_space<vmem_shared>> -> memref<10224x80xf32, #tpu.memory_space<vmem_shared>>
      tpu.wait_indirect_dma semaphore(%arg18 : memref<!tpu.dma_semaphore, #tpu.memory_space<semaphore_mem>>) src(%arg10 : memref<128x80xf32, #tpu.memory_space<vmem>>) dst(%dma_wait3A_235 : memref<10224x80xf32, #tpu.memory_space<vmem_shared>>)
      %dma_wait3A_236 = arith.constant 1 : i32
      %dma_wait3A_237 = arith.constant 0 : i32
      %dma_wait3A_238 = tpu.memref_slice %arg7[%dma_wait3A_236, %dma_wait3A_237] : memref<4x128xi32, #tpu.memory_space<vmem>> -> memref<1x128xi32, #tpu.memory_space<vmem>>
      %dma_wait3A_239 = tpu.memref_squeeze %dma_wait3A_238 : memref<1x128xi32, #tpu.memory_space<vmem>> -> memref<128xi32, #tpu.memory_space<vmem>>
      %dma_wait3A_240 = arith.constant 0 : i32
      %dma_wait3A_241 = arith.constant 0 : i32
      %dma_wait3A_242 = tpu.memref_slice %arg12[%dma_wait3A_240, %dma_wait3A_241] : memref<10000x80xf32, #tpu.memory_space<vmem_shared>> -> memref<10000x80xf32, #tpu.memory_space<vmem_shared>>
      tpu.wait_indirect_dma semaphore(%arg15 : memref<!tpu.dma_semaphore, #tpu.memory_space<semaphore_mem>>) src(%dma_wait3A_242 : memref<10000x80xf32, #tpu.memory_space<vmem_shared>>) dst(%arg11 : memref<128x80xf32, #tpu.memory_space<vmem>>)
      %dma_start3A_243 = arith.constant 1 : i32
      %dma_start3A_244 = arith.constant 0 : i32
      %dma_start3A_245 = tpu.memref_slice %arg9[%dma_start3A_243, %dma_start3A_244] : memref<4x128xi32, #tpu.memory_space<vmem>> -> memref<1x128xi32, #tpu.memory_space<vmem>>
      %dma_start3A_246 = tpu.memref_squeeze %dma_start3A_245 : memref<1x128xi32, #tpu.memory_space<vmem>> -> memref<128xi32, #tpu.memory_space<vmem>>
      %dma_start3A_247 = arith.constant 0 : i32
      %dma_start3A_248 = arith.constant 0 : i32
      %dma_start3A_249 = tpu.memref_slice %arg13[%dma_start3A_247, %dma_start3A_248] : memref<10224x80xf32, #tpu.memory_space<vmem_shared>> -> memref<10224x80xf32, #tpu.memory_space<vmem_shared>>
      tpu.enqueue_indirect_dma source(%arg11 : memref<128x80xf32, #tpu.memory_space<vmem>>) target(%dma_start3A_249 : memref<10224x80xf32, #tpu.memory_space<vmem_shared>>) offsets(%dma_start3A_246 : memref<128xi32, #tpu.memory_space<vmem>>) semaphore(%arg18 : memref<!tpu.dma_semaphore, #tpu.memory_space<semaphore_mem>>) {add = true}
      %dma_start3A_250 = arith.constant 2 : i32
      %dma_start3A_251 = arith.constant 0 : i32
      %dma_start3A_252 = tpu.memref_slice %arg7[%dma_start3A_250, %dma_start3A_251] : memref<4x128xi32, #tpu.memory_space<vmem>> -> memref<1x128xi32, #tpu.memory_space<vmem>>
      %dma_start3A_253 = tpu.memref_squeeze %dma_start3A_252 : memref<1x128xi32, #tpu.memory_space<vmem>> -> memref<128xi32, #tpu.memory_space<vmem>>
      %dma_start3A_254 = arith.constant 0 : i32
      %dma_start3A_255 = arith.constant 0 : i32
      %dma_start3A_256 = tpu.memref_slice %arg12[%dma_start3A_254, %dma_start3A_255] : memref<10000x80xf32, #tpu.memory_space<vmem_shared>> -> memref<10000x80xf32, #tpu.memory_space<vmem_shared>>
      tpu.enqueue_indirect_dma source(%dma_start3A_256 : memref<10000x80xf32, #tpu.memory_space<vmem_shared>>) target(%arg10 : memref<128x80xf32, #tpu.memory_space<vmem>>) offsets(%dma_start3A_253 : memref<128xi32, #tpu.memory_space<vmem>>) semaphore(%arg14 : memref<!tpu.dma_semaphore, #tpu.memory_space<semaphore_mem>>)
      %dma_wait3A_257 = arith.constant 1 : i32
      %dma_wait3A_258 = arith.constant 0 : i32
      %dma_wait3A_259 = tpu.memref_slice %arg9[%dma_wait3A_257, %dma_wait3A_258] : memref<4x128xi32, #tpu.memory_space<vmem>> -> memref<1x128xi32, #tpu.memory_space<vmem>>
      %dma_wait3A_260 = tpu.memref_squeeze %dma_wait3A_259 : memref<1x128xi32, #tpu.memory_space<vmem>> -> memref<128xi32, #tpu.memory_space<vmem>>
      %dma_wait3A_261 = arith.constant 0 : i32
      %dma_wait3A_262 = arith.constant 0 : i32
      %dma_wait3A_263 = tpu.memref_slice %arg13[%dma_wait3A_261, %dma_wait3A_262] : memref<10224x80xf32, #tpu.memory_space<vmem_shared>> -> memref<10224x80xf32, #tpu.memory_space<vmem_shared>>
      tpu.wait_indirect_dma semaphore(%arg18 : memref<!tpu.dma_semaphore, #tpu.memory_space<semaphore_mem>>) src(%arg11 : memref<128x80xf32, #tpu.memory_space<vmem>>) dst(%dma_wait3A_263 : memref<10224x80xf32, #tpu.memory_space<vmem_shared>>)
      %dma_wait3A_264 = arith.constant 2 : i32
      %dma_wait3A_265 = arith.constant 0 : i32
      %dma_wait3A_266 = tpu.memref_slice %arg7[%dma_wait3A_264, %dma_wait3A_265] : memref<4x128xi32, #tpu.memory_space<vmem>> -> memref<1x128xi32, #tpu.memory_space<vmem>>
      %dma_wait3A_267 = tpu.memref_squeeze %dma_wait3A_266 : memref<1x128xi32, #tpu.memory_space<vmem>> -> memref<128xi32, #tpu.memory_space<vmem>>
      %dma_wait3A_268 = arith.constant 0 : i32
      %dma_wait3A_269 = arith.constant 0 : i32
      %dma_wait3A_270 = tpu.memref_slice %arg12[%dma_wait3A_268, %dma_wait3A_269] : memref<10000x80xf32, #tpu.memory_space<vmem_shared>> -> memref<10000x80xf32, #tpu.memory_space<vmem_shared>>
      tpu.wait_indirect_dma semaphore(%arg14 : memref<!tpu.dma_semaphore, #tpu.memory_space<semaphore_mem>>) src(%dma_wait3A_270 : memref<10000x80xf32, #tpu.memory_space<vmem_shared>>) dst(%arg10 : memref<128x80xf32, #tpu.memory_space<vmem>>)
      %dma_start3A_271 = arith.constant 2 : i32
      %dma_start3A_272 = arith.constant 0 : i32
      %dma_start3A_273 = tpu.memref_slice %arg9[%dma_start3A_271, %dma_start3A_272] : memref<4x128xi32, #tpu.memory_space<vmem>> -> memref<1x128xi32, #tpu.memory_space<vmem>>
      %dma_start3A_274 = tpu.memref_squeeze %dma_start3A_273 : memref<1x128xi32, #tpu.memory_space<vmem>> -> memref<128xi32, #tpu.memory_space<vmem>>
      %dma_start3A_275 = arith.constant 0 : i32
      %dma_start3A_276 = arith.constant 0 : i32
      %dma_start3A_277 = tpu.memref_slice %arg13[%dma_start3A_275, %dma_start3A_276] : memref<10224x80xf32, #tpu.memory_space<vmem_shared>> -> memref<10224x80xf32, #tpu.memory_space<vmem_shared>>
      tpu.enqueue_indirect_dma source(%arg10 : memref<128x80xf32, #tpu.memory_space<vmem>>) target(%dma_start3A_277 : memref<10224x80xf32, #tpu.memory_space<vmem_shared>>) offsets(%dma_start3A_274 : memref<128xi32, #tpu.memory_space<vmem>>) semaphore(%arg18 : memref<!tpu.dma_semaphore, #tpu.memory_space<semaphore_mem>>) {add = true}
      %dma_start3A_278 = arith.constant 3 : i32
      %dma_start3A_279 = arith.constant 0 : i32
      %dma_start3A_280 = tpu.memref_slice %arg7[%dma_start3A_278, %dma_start3A_279] : memref<4x128xi32, #tpu.memory_space<vmem>> -> memref<1x128xi32, #tpu.memory_space<vmem>>
      %dma_start3A_281 = tpu.memref_squeeze %dma_start3A_280 : memref<1x128xi32, #tpu.memory_space<vmem>> -> memref<128xi32, #tpu.memory_space<vmem>>
      %dma_start3A_282 = arith.constant 0 : i32
      %dma_start3A_283 = arith.constant 0 : i32
      %dma_start3A_284 = tpu.memref_slice %arg12[%dma_start3A_282, %dma_start3A_283] : memref<10000x80xf32, #tpu.memory_space<vmem_shared>> -> memref<10000x80xf32, #tpu.memory_space<vmem_shared>>
      tpu.enqueue_indirect_dma source(%dma_start3A_284 : memref<10000x80xf32, #tpu.memory_space<vmem_shared>>) target(%arg11 : memref<128x80xf32, #tpu.memory_space<vmem>>) offsets(%dma_start3A_281 : memref<128xi32, #tpu.memory_space<vmem>>) semaphore(%arg15 : memref<!tpu.dma_semaphore, #tpu.memory_space<semaphore_mem>>)
      %dma_wait3A_285 = arith.constant 2 : i32
      %dma_wait3A_286 = arith.constant 0 : i32
      %dma_wait3A_287 = tpu.memref_slice %arg9[%dma_wait3A_285, %dma_wait3A_286] : memref<4x128xi32, #tpu.memory_space<vmem>> -> memref<1x128xi32, #tpu.memory_space<vmem>>
      %dma_wait3A_288 = tpu.memref_squeeze %dma_wait3A_287 : memref<1x128xi32, #tpu.memory_space<vmem>> -> memref<128xi32, #tpu.memory_space<vmem>>
      %dma_wait3A_289 = arith.constant 0 : i32
      %dma_wait3A_290 = arith.constant 0 : i32
      %dma_wait3A_291 = tpu.memref_slice %arg13[%dma_wait3A_289, %dma_wait3A_290] : memref<10224x80xf32, #tpu.memory_space<vmem_shared>> -> memref<10224x80xf32, #tpu.memory_space<vmem_shared>>
      tpu.wait_indirect_dma semaphore(%arg18 : memref<!tpu.dma_semaphore, #tpu.memory_space<semaphore_mem>>) src(%arg10 : memref<128x80xf32, #tpu.memory_space<vmem>>) dst(%dma_wait3A_291 : memref<10224x80xf32, #tpu.memory_space<vmem_shared>>)
      %dma_wait3A_292 = arith.constant 3 : i32
      %dma_wait3A_293 = arith.constant 0 : i32
      %dma_wait3A_294 = tpu.memref_slice %arg7[%dma_wait3A_292, %dma_wait3A_293] : memref<4x128xi32, #tpu.memory_space<vmem>> -> memref<1x128xi32, #tpu.memory_space<vmem>>
      %dma_wait3A_295 = tpu.memref_squeeze %dma_wait3A_294 : memref<1x128xi32, #tpu.memory_space<vmem>> -> memref<128xi32, #tpu.memory_space<vmem>>
      %dma_wait3A_296 = arith.constant 0 : i32
      %dma_wait3A_297 = arith.constant 0 : i32
      %dma_wait3A_298 = tpu.memref_slice %arg12[%dma_wait3A_296, %dma_wait3A_297] : memref<10000x80xf32, #tpu.memory_space<vmem_shared>> -> memref<10000x80xf32, #tpu.memory_space<vmem_shared>>
      tpu.wait_indirect_dma semaphore(%arg15 : memref<!tpu.dma_semaphore, #tpu.memory_space<semaphore_mem>>) src(%dma_wait3A_298 : memref<10000x80xf32, #tpu.memory_space<vmem_shared>>) dst(%arg11 : memref<128x80xf32, #tpu.memory_space<vmem>>)
      %dma_start3A_299 = arith.constant 3 : i32
      %dma_start3A_300 = arith.constant 0 : i32
      %dma_start3A_301 = tpu.memref_slice %arg9[%dma_start3A_299, %dma_start3A_300] : memref<4x128xi32, #tpu.memory_space<vmem>> -> memref<1x128xi32, #tpu.memory_space<vmem>>
      %dma_start3A_302 = tpu.memref_squeeze %dma_start3A_301 : memref<1x128xi32, #tpu.memory_space<vmem>> -> memref<128xi32, #tpu.memory_space<vmem>>
      %dma_start3A_303 = arith.constant 0 : i32
      %dma_start3A_304 = arith.constant 0 : i32
      %dma_start3A_305 = tpu.memref_slice %arg13[%dma_start3A_303, %dma_start3A_304] : memref<10224x80xf32, #tpu.memory_space<vmem_shared>> -> memref<10224x80xf32, #tpu.memory_space<vmem_shared>>
      tpu.enqueue_indirect_dma source(%arg11 : memref<128x80xf32, #tpu.memory_space<vmem>>) target(%dma_start3A_305 : memref<10224x80xf32, #tpu.memory_space<vmem_shared>>) offsets(%dma_start3A_302 : memref<128xi32, #tpu.memory_space<vmem>>) semaphore(%arg18 : memref<!tpu.dma_semaphore, #tpu.memory_space<semaphore_mem>>) {add = true}
      %add3A_306 = arith.constant 1 : i32
      %add3A_307 = arith.addi %add3A_200, %add3A_306 : i32
      %lt3A_308 = arith.constant 40 : i32
      %lt3A_309 = arith.cmpi slt, %add3A_307, %lt3A_308 : i32
      %convert_element_type3A_310 = arith.extui %lt3A_309 : i1 to i32
      %cond3A_311 = arith.constant 0 : i32
      %cond3A_312 = arith.cmpi ne, %convert_element_type3A_310, %cond3A_311 : i32
      scf.if %cond3A_312 {
        %add3A_320 = arith.constant 1 : i32
        %add3A_321 = arith.addi %add3A_200, %add3A_320 : i32
        %dma_wait3A_322 = arith.constant 0 : i32
        %dma_wait3A_323 = arith.constant 0 : i32
        %dma_wait3A_324 = tpu.memref_slice %arg3[%arg1, %add3A_321, %dma_wait3A_322, %dma_wait3A_323] : memref<16x40x4x128xi32, #tpu.memory_space<hbm>> -> memref<1x1x4x128xi32, #tpu.memory_space<hbm>>
        %dma_wait3A_325 = tpu.memref_squeeze %dma_wait3A_324 : memref<1x1x4x128xi32, #tpu.memory_space<hbm>> -> memref<4x128xi32, #tpu.memory_space<hbm>>
        %dma_wait3A_326 = arith.constant 0 : i32
        %dma_wait3A_327 = arith.constant 0 : i32
        %dma_wait3A_328 = tpu.memref_slice %arg3[%arg1, %add3A_321, %dma_wait3A_326, %dma_wait3A_327] : memref<16x40x4x128xi32, #tpu.memory_space<hbm>> -> memref<1x1x4x128xi32, #tpu.memory_space<hbm>>
        %dma_wait3A_329 = tpu.memref_squeeze %dma_wait3A_328 : memref<1x1x4x128xi32, #tpu.memory_space<hbm>> -> memref<4x128xi32, #tpu.memory_space<hbm>>
        tpu.wait_dma2 semaphore(%arg16 : memref<!tpu.dma_semaphore, #tpu.memory_space<semaphore_mem>>) src(%dma_wait3A_329 : memref<4x128xi32, #tpu.memory_space<hbm>>) dst(%arg6 : memref<4x128xi32, #tpu.memory_space<vmem>>)
        %dma_wait3A_330 = arith.constant 0 : i32
        %dma_wait3A_331 = arith.constant 0 : i32
        %dma_wait3A_332 = tpu.memref_slice %arg4[%arg1, %add3A_321, %dma_wait3A_330, %dma_wait3A_331] : memref<16x40x4x128xi32, #tpu.memory_space<hbm>> -> memref<1x1x4x128xi32, #tpu.memory_space<hbm>>
        %dma_wait3A_333 = tpu.memref_squeeze %dma_wait3A_332 : memref<1x1x4x128xi32, #tpu.memory_space<hbm>> -> memref<4x128xi32, #tpu.memory_space<hbm>>
        %dma_wait3A_334 = arith.constant 0 : i32
        %dma_wait3A_335 = arith.constant 0 : i32
        %dma_wait3A_336 = tpu.memref_slice %arg4[%arg1, %add3A_321, %dma_wait3A_334, %dma_wait3A_335] : memref<16x40x4x128xi32, #tpu.memory_space<hbm>> -> memref<1x1x4x128xi32, #tpu.memory_space<hbm>>
        %dma_wait3A_337 = tpu.memref_squeeze %dma_wait3A_336 : memref<1x1x4x128xi32, #tpu.memory_space<hbm>> -> memref<4x128xi32, #tpu.memory_space<hbm>>
        tpu.wait_dma2 semaphore(%arg16 : memref<!tpu.dma_semaphore, #tpu.memory_space<semaphore_mem>>) src(%dma_wait3A_337 : memref<4x128xi32, #tpu.memory_space<hbm>>) dst(%arg8 : memref<4x128xi32, #tpu.memory_space<vmem>>)
        %dma_start3A_338 = arith.constant 0 : i32
        %dma_start3A_339 = arith.constant 0 : i32
        %dma_start3A_340 = tpu.memref_slice %arg6[%dma_start3A_338, %dma_start3A_339] : memref<4x128xi32, #tpu.memory_space<vmem>> -> memref<1x128xi32, #tpu.memory_space<vmem>>
        %dma_start3A_341 = tpu.memref_squeeze %dma_start3A_340 : memref<1x128xi32, #tpu.memory_space<vmem>> -> memref<128xi32, #tpu.memory_space<vmem>>
        %dma_start3A_342 = arith.constant 0 : i32
        %dma_start3A_343 = arith.constant 0 : i32
        %dma_start3A_344 = tpu.memref_slice %arg12[%dma_start3A_342, %dma_start3A_343] : memref<10000x80xf32, #tpu.memory_space<vmem_shared>> -> memref<10000x80xf32, #tpu.memory_space<vmem_shared>>
        tpu.enqueue_indirect_dma source(%dma_start3A_344 : memref<10000x80xf32, #tpu.memory_space<vmem_shared>>) target(%arg10 : memref<128x80xf32, #tpu.memory_space<vmem>>) offsets(%dma_start3A_341 : memref<128xi32, #tpu.memory_space<vmem>>) semaphore(%arg14 : memref<!tpu.dma_semaphore, #tpu.memory_space<semaphore_mem>>)
      } else {
      }
      %dma_wait3A_313 = arith.constant 3 : i32
      %dma_wait3A_314 = arith.constant 0 : i32
      %dma_wait3A_315 = tpu.memref_slice %arg9[%dma_wait3A_313, %dma_wait3A_314] : memref<4x128xi32, #tpu.memory_space<vmem>> -> memref<1x128xi32, #tpu.memory_space<vmem>>
      %dma_wait3A_316 = tpu.memref_squeeze %dma_wait3A_315 : memref<1x128xi32, #tpu.memory_space<vmem>> -> memref<128xi32, #tpu.memory_space<vmem>>
      %dma_wait3A_317 = arith.constant 0 : i32
      %dma_wait3A_318 = arith.constant 0 : i32
      %dma_wait3A_319 = tpu.memref_slice %arg13[%dma_wait3A_317, %dma_wait3A_318] : memref<10224x80xf32, #tpu.memory_space<vmem_shared>> -> memref<10224x80xf32, #tpu.memory_space<vmem_shared>>
      tpu.wait_indirect_dma semaphore(%arg18 : memref<!tpu.dma_semaphore, #tpu.memory_space<semaphore_mem>>) src(%arg11 : memref<128x80xf32, #tpu.memory_space<vmem>>) dst(%dma_wait3A_319 : memref<10224x80xf32, #tpu.memory_space<vmem_shared>>)
    }
    %scan3A_73 = arith.constant 20 : i32
    %barrier3A_74 = arith.constant 0 : index
    tpu.barrier barrier_id(%barrier3A_74)
    %mul3A_75 = arith.constant 10224 : i32
    %mul3A_76 = arith.muli %arg0, %mul3A_75 : i32
    %add3A_77 = arith.addi %mul3A_76, %mul3A_15 : i32
    "tpu.region"() ({
      %run_scoped3A = tpu.sem_alloc : memref<!tpu.dma_semaphore, #tpu.memory_space<semaphore_mem>>
      %dma_start3A_78 = arith.constant 0 : i32
      %dma_start3A_79 = tpu.memref_slice %arg5[%add3A_77, %dma_start3A_78] : memref<20448x80xf32, #tpu.memory_space<hbm>> -> memref<639x80xf32, #tpu.memory_space<hbm>>
      %dma_start3A_80 = arith.constant 0 : i32
      %dma_start3A_81 = tpu.memref_slice %arg13[%mul3A_15, %dma_start3A_80] : memref<10224x80xf32, #tpu.memory_space<vmem_shared>> -> memref<639x80xf32, #tpu.memory_space<vmem_shared>>
      tpu.enqueue_dma source(%dma_start3A_81 : memref<639x80xf32, #tpu.memory_space<vmem_shared>>) target(%dma_start3A_79 : memref<639x80xf32, #tpu.memory_space<hbm>>) target_semaphore(%run_scoped3A : memref<!tpu.dma_semaphore, #tpu.memory_space<semaphore_mem>>)
      %dma_wait3A_82 = arith.constant 0 : i32
      %dma_wait3A_83 = tpu.memref_slice %arg5[%add3A_77, %dma_wait3A_82] : memref<20448x80xf32, #tpu.memory_space<hbm>> -> memref<639x80xf32, #tpu.memory_space<hbm>>
      %dma_wait3A_84 = arith.constant 0 : i32
      %dma_wait3A_85 = tpu.memref_slice %arg13[%mul3A_15, %dma_wait3A_84] : memref<10224x80xf32, #tpu.memory_space<vmem_shared>> -> memref<639x80xf32, #tpu.memory_space<vmem_shared>>
      tpu.wait_dma2 semaphore(%run_scoped3A : memref<!tpu.dma_semaphore, #tpu.memory_space<semaphore_mem>>) src(%dma_wait3A_85 : memref<639x80xf32, #tpu.memory_space<vmem_shared>>) dst(%dma_wait3A_83 : memref<639x80xf32, #tpu.memory_space<hbm>>)
      tpu.yield
    }) : () -> ()
    return
  }
}

module attributes {stable_mosaic.version = 14 : i64} {
  func.func @body(%arg0: i32, %arg1: memref<1x1xf32, #tpu.memory_space<vmem>>, %arg2: memref<2x2000x80xf32, #tpu.memory_space<vmem>>, %arg3: memref<2x2000x80xf32, #tpu.memory_space<vmem>>, %arg4: memref<128x128xf32, #tpu.memory_space<vmem>>, %arg5: memref<128x128xf32, #tpu.memory_space<vmem>>, %arg6: memref<1x128xf32, #tpu.memory_space<vmem>>, %arg7: memref<2x2000x80xf32, #tpu.memory_space<vmem>>) attributes {dimension_semantics = [#tpu.dimension_semantics<arbitrary>], iteration_bounds = array<i64: 5>, scalar_prefetch = 0 : i64, scratch_operands = 0 : i64, tpu.core_type = #tpu.core_type<tc>, window_params = [{pipeline_mode = #tpu.pipeline_mode<synchronous>, transform_indices = @transform_0, window_bounds = array<i64: 1, 1>}, {transform_indices = @transform_1, window_bounds = array<i64: 2, 2000, 80>}, {transform_indices = @transform_2, window_bounds = array<i64: 2, 2000, 80>}, {pipeline_mode = #tpu.pipeline_mode<synchronous>, transform_indices = @transform_3, window_bounds = array<i64: 128, 128>}, {pipeline_mode = #tpu.pipeline_mode<synchronous>, transform_indices = @transform_4, window_bounds = array<i64: 128, 128>}, {pipeline_mode = #tpu.pipeline_mode<synchronous>, transform_indices = @transform_5, window_bounds = array<i64: 1, 128>}, {transform_indices = @transform_6, window_bounds = array<i64: 2, 2000, 80>}]} {
    %get3A = arith.constant 0 : index
    %get3A_0 = arith.constant 0 : index
    %get3A_1 = arith.constant 0 : index
    %get3A_2 = vector.load %arg2[%get3A, %get3A_0, %get3A_1] : memref<2x2000x80xf32, #tpu.memory_space<vmem>>, vector<1x2000x80xf32>
    %get3A_3 = vector.shape_cast %get3A_2 : vector<1x2000x80xf32> to vector<2000x80xf32>
    %get3A_4 = arith.constant 1 : index
    %get3A_5 = arith.constant 0 : index
    %get3A_6 = arith.constant 0 : index
    %get3A_7 = vector.load %arg2[%get3A_4, %get3A_5, %get3A_6] : memref<2x2000x80xf32, #tpu.memory_space<vmem>>, vector<1x2000x80xf32>
    %get3A_8 = vector.shape_cast %get3A_7 : vector<1x2000x80xf32> to vector<2000x80xf32>
    %slice3A = vector.extract_strided_slice %get3A_8 {offsets = [0, 48], sizes = [2000, 1], strides = [1, 1]} : vector<2000x80xf32> to vector<2000x1xf32>
    %max3A = arith.constant 1.000000e+00 : f32
    %max3A_9 = vector.broadcast %max3A : f32 to vector<2000x1xf32>
    %max3A_10 = arith.maximumf %slice3A, %max3A_9 : vector<2000x1xf32>
    %slice3A_11 = vector.extract_strided_slice %get3A_8 {offsets = [0, 0], sizes = [2000, 48], strides = [1, 1]} : vector<2000x80xf32> to vector<2000x48xf32>
    %concatenate3A = tpu.concatenate %get3A_3, %slice3A_11 in 1 : vector<2000x80xf32>, vector<2000x48xf32> -> vector<2000x128xf32>
    %div3A = vector.broadcast %max3A_10 : vector<2000x1xf32> to vector<2000x128xf32>
    %div3A_12 = arith.divf %concatenate3A, %div3A : vector<2000x128xf32>
    %get3A_13 = arith.constant 0 : index
    %get3A_14 = arith.constant 0 : index
    %get3A_15 = arith.constant 0 : index
    %get3A_16 = vector.load %arg3[%get3A_13, %get3A_14, %get3A_15] : memref<2x2000x80xf32, #tpu.memory_space<vmem>>, vector<1x2000x80xf32>
    %get3A_17 = vector.shape_cast %get3A_16 : vector<1x2000x80xf32> to vector<2000x80xf32>
    %get3A_18 = arith.constant 1 : index
    %get3A_19 = arith.constant 0 : index
    %get3A_20 = arith.constant 0 : index
    %get3A_21 = vector.load %arg3[%get3A_18, %get3A_19, %get3A_20] : memref<2x2000x80xf32, #tpu.memory_space<vmem>>, vector<1x2000x48xf32>
    %get3A_22 = vector.shape_cast %get3A_21 : vector<1x2000x48xf32> to vector<2000x48xf32>
    %concatenate3A_23 = tpu.concatenate %get3A_17, %get3A_22 in 1 : vector<2000x80xf32>, vector<2000x48xf32> -> vector<2000x128xf32>
    %get3A_24 = arith.constant 0 : index
    %get3A_25 = arith.constant 0 : index
    %get3A_26 = vector.load %arg4[%get3A_24, %get3A_25] : memref<128x128xf32, #tpu.memory_space<vmem>>, vector<128x128xf32>
    %dot_general3A = arith.constant dense<0.000000e+00> : vector<2000x128xf32>
    %dot_general3A_27 = tpu.matmul %div3A_12, %get3A_26, %dot_general3A {dimension_numbers = #tpu.dot_dimension_numbers<[1], [0], [0], [1], [0, 0, 1, 1], [], []>, transpose_lhs_hint = false} : vector<2000x128xf32>, vector<128x128xf32>, vector<2000x128xf32> -> vector<2000x128xf32>
    %get3A_28 = arith.constant 0 : index
    %get3A_29 = arith.constant 0 : index
    %get3A_30 = vector.load %arg5[%get3A_28, %get3A_29] : memref<128x128xf32, #tpu.memory_space<vmem>>, vector<128x128xf32>
    %dot_general3A_31 = arith.constant dense<0.000000e+00> : vector<2000x128xf32>
    %dot_general3A_32 = tpu.matmul %concatenate3A_23, %get3A_30, %dot_general3A_31 {dimension_numbers = #tpu.dot_dimension_numbers<[1], [0], [0], [1], [0, 0, 1, 1], [], []>, transpose_lhs_hint = false} : vector<2000x128xf32>, vector<128x128xf32>, vector<2000x128xf32> -> vector<2000x128xf32>
    %add3A = arith.addf %dot_general3A_27, %dot_general3A_32 : vector<2000x128xf32>
    %get3A_33 = arith.constant 0 : index
    %get3A_34 = arith.constant 0 : index
    %get3A_35 = vector.load %arg6[%get3A_33, %get3A_34] : memref<1x128xf32, #tpu.memory_space<vmem>>, vector<1x128xf32>
    %add3A_36 = vector.broadcast %get3A_35 : vector<1x128xf32> to vector<2000x128xf32>
    %add3A_37 = arith.addf %add3A, %add3A_36 : vector<2000x128xf32>
    %get3A_38 = arith.constant 0 : index
    %get3A_39 = arith.constant 0 : index
    %get3A_40 = vector.load %arg1[%get3A_38, %get3A_39] : memref<1x1xf32, #tpu.memory_space<vmem>>, vector<1x1xf32>
    %get3A_41 = vector.extract %get3A_40[0, 0] : f32 from vector<1x1xf32>
    %gt3A = arith.constant 5.000000e-01 : f32
    %gt3A_42 = arith.cmpf ogt, %get3A_41, %gt3A : f32
    %max3A_43 = arith.constant 0.000000e+00 : f32
    %max3A_44 = vector.broadcast %max3A_43 : f32 to vector<2000x128xf32>
    %max3A_45 = arith.maximumf %add3A_37, %max3A_44 : vector<2000x128xf32>
    %select_n3A = arith.select %gt3A_42, %max3A_45, %add3A_37 : vector<2000x128xf32>
    %slice3A_46 = vector.extract_strided_slice %select_n3A {offsets = [0, 0], sizes = [2000, 80], strides = [1, 1]} : vector<2000x128xf32> to vector<2000x80xf32>
    %swap3A = arith.constant 0 : index
    %swap3A_47 = arith.constant 0 : index
    %swap3A_48 = arith.constant 0 : index
    %swap3A_49 = vector.load %arg7[%swap3A, %swap3A_47, %swap3A_48] : memref<2x2000x80xf32, #tpu.memory_space<vmem>>, vector<1x2000x80xf32>
    %swap3A_50 = vector.shape_cast %swap3A_49 : vector<1x2000x80xf32> to vector<2000x80xf32>
    %swap3A_51 = vector.shape_cast %slice3A_46 : vector<2000x80xf32> to vector<1x2000x80xf32>
    tpu.vector_store %arg7[%swap3A, %swap3A_47, %swap3A_48], %swap3A_51 {strides = array<i32>} : memref<2x2000x80xf32, #tpu.memory_space<vmem>>, vector<1x2000x80xf32>,
    %slice3A_52 = vector.extract_strided_slice %select_n3A {offsets = [0, 80], sizes = [2000, 48], strides = [1, 1]} : vector<2000x128xf32> to vector<2000x48xf32>
    %broadcast_in_dim3A = arith.constant 1.000000e+00 : f32
    %broadcast_in_dim3A_53 = vector.broadcast %broadcast_in_dim3A : f32 to vector<2000x1xf32>
    %broadcast_in_dim3A_54 = arith.constant 0.000000e+00 : f32
    %broadcast_in_dim3A_55 = vector.broadcast %broadcast_in_dim3A_54 : f32 to vector<2000x31xf32>
    %concatenate3A_56 = tpu.concatenate %slice3A_52, %broadcast_in_dim3A_53, %broadcast_in_dim3A_55 in 1 : vector<2000x48xf32>, vector<2000x1xf32>, vector<2000x31xf32> -> vector<2000x80xf32>
    %swap3A_57 = arith.constant 1 : index
    %swap3A_58 = arith.constant 0 : index
    %swap3A_59 = arith.constant 0 : index
    %swap3A_60 = vector.load %arg7[%swap3A_57, %swap3A_58, %swap3A_59] : memref<2x2000x80xf32, #tpu.memory_space<vmem>>, vector<1x2000x80xf32>
    %swap3A_61 = vector.shape_cast %swap3A_60 : vector<1x2000x80xf32> to vector<2000x80xf32>
    %swap3A_62 = vector.shape_cast %concatenate3A_56 : vector<2000x80xf32> to vector<1x2000x80xf32>
    tpu.vector_store %arg7[%swap3A_57, %swap3A_58, %swap3A_59], %swap3A_62 {strides = array<i32>} : memref<2x2000x80xf32, #tpu.memory_space<vmem>>, vector<1x2000x80xf32>,
    return
  }
  func.func @transform_0(%arg0: i32) -> (i32, i32) {
    %c0_i32 = arith.constant 0 : i32
    %c0_i32_0 = arith.constant 0 : i32
    %c0_i32_1 = arith.constant 0 : i32
    return %c0_i32, %c0_i32_0 : i32, i32
  }
  func.func @transform_1(%arg0: i32) -> (i32, i32, i32) {
    %c0_i32 = arith.constant 0 : i32
    %c0_i32_0 = arith.constant 0 : i32
    %c0_i32_1 = arith.constant 0 : i32
    return %c0_i32, %arg0, %c0_i32_0 : i32, i32, i32
  }
  func.func @transform_2(%arg0: i32) -> (i32, i32, i32) {
    %c0_i32 = arith.constant 0 : i32
    %c0_i32_0 = arith.constant 0 : i32
    %c0_i32_1 = arith.constant 0 : i32
    return %c0_i32, %arg0, %c0_i32_0 : i32, i32, i32
  }
  func.func @transform_3(%arg0: i32) -> (i32, i32) {
    %c0_i32 = arith.constant 0 : i32
    %c0_i32_0 = arith.constant 0 : i32
    %c0_i32_1 = arith.constant 0 : i32
    return %c0_i32, %c0_i32_0 : i32, i32
  }
  func.func @transform_4(%arg0: i32) -> (i32, i32) {
    %c0_i32 = arith.constant 0 : i32
    %c0_i32_0 = arith.constant 0 : i32
    %c0_i32_1 = arith.constant 0 : i32
    return %c0_i32, %c0_i32_0 : i32, i32
  }
  func.func @transform_5(%arg0: i32) -> (i32, i32) {
    %c0_i32 = arith.constant 0 : i32
    %c0_i32_0 = arith.constant 0 : i32
    %c0_i32_1 = arith.constant 0 : i32
    return %c0_i32, %c0_i32_0 : i32, i32
  }
  func.func @transform_6(%arg0: i32) -> (i32, i32, i32) {
    %c0_i32 = arith.constant 0 : i32
    %c0_i32_0 = arith.constant 0 : i32
    %c0_i32_1 = arith.constant 0 : i32
    return %c0_i32, %arg0, %c0_i32_0 : i32, i32, i32
  }
}

</mosaic_0001>

<sc_bundles>
// kernel: body.8.cloned.1.call-start
scs
__scs_entry_jumppad:
0x0: {  	(pc) =	sbr.rel $0x88, $3  }
0x1: {  	(tag) =	ssettag $0x0;
	lr =	simm.s32 $0x1  }
0x2: {  	[smem:$0x3F99] =	sst lr;
	_ =	strace $0xD0000000  }
0x3: {  	_ = 	snop  }
0x4: {  	_ = 	snop  }
0x5: {  	_ = 	snop  }
0x6: {  	_ = 	snop  }
0x7: {  	_ = 	snop  }
__scs_overlays_trampoline_lowered:
0x8: {  	[smem:$0x3FA8] =	sst s0  }
0x9: {  	[smem:$0x3FA9] =	sst s1  }
0xa: {  	[smem:$0x3FAA] =	sst s2  }
0xb: {  	[smem:$0x3FAB] =	sst s3  }
0xc: {  	[smem:$0x3FAC] =	sst s4  }
0xd: {  	[smem:$0x3FAD] =	sst s5  }
0xe: {  	[smem:$0x3FAE] =	sst s6  }
0xf: {  	[smem:$0x3FAF] =	sst s7  }
0x10: {  	[smem:$0x3FB0] =	sst s8  }
0x11: {  	[smem:$0x3FB1] =	sst s9;
	s0 =	simm.s32 @!p0 $0x0  }
0x12: {  	s1 =	sld [smem:$0x3F97];
	s0 =	simm.s32 @p0 $0x1  }
0x13: {  	[smem:$0x3FB2] =	sst s0;
	s0 =	simm.s32 @!p1 $0x0  }
0x14: {  	s2 =	sld [smem:$0x3F96];
	s0 =	simm.s32 @p1 $0x1  }
0x15: {  	[smem:$0x3FB3] =	sst s0;
	s0 =	simm.s32 @!p2 $0x0  }
0x16: {  	s3 =	sld [smem:$0x3FDB];
	s0 =	simm.s32 @p2 $0x1  }
0x17: {  	s4 =	simm.s32 $0x1BF5;
	[smem:$0x3FB5] =	sst s0  }
0x18: {  	s0 =	sld [smem:$0x3F98];
	_ =	swait.ge [sflag:s4], $0x0  }
0x19: {  	s7 =	sld [smem:$0x3F99]  }
0x1a: {  	s8 =	sadd.s32 $0xFFFFE003, lr  }
0x1b: {  	s9 =	sadd.s32 $0xFFFFFEF7, lr;
	s5 =	simm.s32 $0xFFFFFFFF;
	p2 =	slt.u32 s8, $0xFFFFF086  }
0x1c: {  	p1 =	slt.u32 s9, $0xF7A;
	s5 =	simm.s32 @!p2 $0x0  }
0x1d: {  	s5 =	simm.s32 @p1 $0x1;
	p0 =	seq.s32 s7, s2  }
0x1e: {  	s7 =	smul.u32 @!p0 $0xF7A, s2;
	p2 =	seq.s32 @!p0 s5, $0x0  }
0x1f: {  	s9 =	smul.u32 $0xF7A, s1;
	s8 =	simm.s32 @!p0 $0x1BF5;
	p2 =	por !p2, p0  }
0x20: {  	[sflag:s8] =	ssyncset.s32 @!p0 $0xFFFFF086;
	s6 =	sadd.s32 @!p0 s3, s7;
	s7 =	simm.s32 @!p0 $0x108  }
0x21: {  	s3 =	sadd.s32 s3, s9;
	s6 =	sadd.s32 @!p0 $0x88, s6;
	s7 =	simm.s32 @p2 $0x1082  }
0x22: {  	[simem:s7], [sflag:s8] =	dma.local @!p0 [hbm:s6], $0xF7A  }
0x23: {  	s9 =	sor.u32 $0xD0000000, s2;
	s6 =	simm.s32 $0x108;
	_ =	swait.ge @!p0 [sflag:s8], $0x0  }
0x24: {  	s3 =	sadd.s32 $0x88, s3;
	s6 =	simm.s32 @!p1 $0x1082;
	[sflag:s4] =	ssyncset.s32 $0xFFFFF086  }
0x25: {  	[simem:s6], [sflag:s4] =	dma.local [hbm:s3], $0xF7A  }
0x26: {  	[smem:$0x3F99] =	sst s1;
	(tag) =	ssettag s2;
	_ =	strace s9  }
0x27: {  	s1 =	sld [smem:$0x3FA9]  }
0x28: {  	s2 =	sld [smem:$0x3FAA]  }
0x29: {  	s4 =	sld [smem:$0x3FAC]  }
0x2a: {  	p0 =	seq.s32 s5, $0x0;
	s5 =	sld [smem:$0x3FAD]  }
0x2b: {  	s6 =	sld [smem:$0x3FAE]  }
0x2c: {  	s7 =	sld [smem:$0x3FAF]  }
0x2d: {  	s3 =	simm.s32 $0x108;
	s8 =	sld [smem:$0x3FB0]  }
0x2e: {  	s3 =	simm.s32 @!p0 $0x1082;
	s9 =	sld [smem:$0x3FB1]  }
0x2f: {  	lr =	sadd.s32 s0, s3;
	s0 =	sld [smem:$0x3FA8]  }
0x30: {  	s3 =	sld [smem:$0x3FAB]  }
0x31: {  	[smem:$0x3FB4] =	sst s10  }
0x32: {  	s10 =	sld [smem:$0x3FB2];
	_ =	sdelay $0x3  }
0x33: {  	p0 =	seq.s32 s10, $0x1;
	s10 =	sld [smem:$0x3FB4];
	_ =	sdelay $0x3  }
0x34: {  	[smem:$0x3FB4] =	sst s10  }
0x35: {  	s10 =	sld [smem:$0x3FB3];
	_ =	sdelay $0x3  }
0x36: {  	p1 =	seq.s32 s10, $0x1;
	s10 =	sld [smem:$0x3FB4];
	_ =	sdelay $0x3  }
0x37: {  	[smem:$0x3FB4] =	sst s10  }
0x38: {  	s10 =	sld [smem:$0x3FB5]  }
0x39: {  	_ = 	snop;
	(pc) =	sbr.ind lr, $3  }
0x3a: {  	_ = 	snop  }
0x3b: {  	_ = 	snop  }
0x3c: {  	p2 =	seq.s32 s10, $0x1;
	s10 =	sld [smem:$0x3FB4]  }
0x3d: {  	_ =	shalt  }
0x3e: {  	_ =	shalt  }
0x3f: {  	_ =	shalt  }
0x40: {  	_ =	shalt  }
0x41: {  	_ =	shalt  }
0x42: {  	_ =	shalt  }
0x43: {  	_ =	shalt  }
0x44: {  	_ =	shalt  }
0x45: {  	_ =	shalt  }
0x46: {  	_ =	shalt  }
0x47: {  	_ =	shalt  }
0x48: {  	_ =	shalt  }
0x49: {  	_ =	shalt  }
0x4a: {  	_ =	shalt  }
0x4b: {  	_ =	shalt  }
0x4c: {  	_ =	shalt  }
0x4d: {  	_ =	shalt  }
0x4e: {  	_ =	shalt  }
0x4f: {  	_ =	shalt  }
0x50: {  	_ =	shalt  }
0x51: {  	_ =	shalt  }
0x52: {  	_ =	shalt  }
0x53: {  	_ =	shalt  }
0x54: {  	_ =	shalt  }
0x55: {  	_ =	shalt  }
0x56: {  	_ =	shalt  }
0x57: {  	_ =	shalt  }
0x58: {  	_ =	shalt  }
0x59: {  	_ =	shalt  }
0x5a: {  	_ =	shalt  }
0x5b: {  	_ =	shalt  }
0x5c: {  	_ =	shalt  }
0x5d: {  	_ =	shalt  }
0x5e: {  	_ =	shalt  }
0x5f: {  	_ =	shalt  }
0x60: {  	_ =	shalt  }
0x61: {  	_ =	shalt  }
0x62: {  	_ =	shalt  }
0x63: {  	_ =	shalt  }
0x64: {  	_ =	shalt  }
0x65: {  	_ =	shalt  }
0x66: {  	_ =	shalt  }
0x67: {  	_ =	shalt  }
0x68: {  	_ =	shalt  }
0x69: {  	_ =	shalt  }
0x6a: {  	_ =	shalt  }
0x6b: {  	_ =	shalt  }
0x6c: {  	_ =	shalt  }
0x6d: {  	_ =	shalt  }
0x6e: {  	_ =	shalt  }
0x6f: {  	_ =	shalt  }
0x70: {  	_ =	shalt  }
0x71: {  	_ =	shalt  }
0x72: {  	_ =	shalt  }
0x73: {  	_ =	shalt  }
0x74: {  	_ =	shalt  }
0x75: {  	_ =	shalt  }
0x76: {  	_ =	shalt  }
0x77: {  	_ =	shalt  }
0x78: {  	_ =	shalt  }
0x79: {  	_ =	shalt  }
0x7a: {  	_ =	shalt  }
0x7b: {  	_ =	shalt  }
0x7c: {  	_ =	shalt  }
0x7d: {  	_ =	shalt  }
0x7e: {  	_ =	shalt  }
0x7f: {  	_ =	shalt  }
0x80: {  	_ =	shalt  }
0x81: {  	_ =	shalt  }
0x82: {  	_ =	shalt  }
0x83: {  	_ =	shalt  }
0x84: {  	_ =	shalt  }
0x85: {  	_ =	shalt  }
0x86: {  	_ =	shalt  }
0x87: {  	_ =	shalt  }
.Lfunc_end0:
.L_simem_size_0:
called_computation_lowered:
.L_overlay_start_0:
0x88: {  	s2 =	sld [smem:$0x3FD9]  }
0x89: {  	s3 =	sld [smem:$0x3FFE];
	_ =	sdelay $0x1  }
0x8a: {  	s1 =	srdreg.scid  }
0x8b: {  	s0 =	sand.u32 $0x1, s1  }
0x8c: {  	s17 =	sshll.u32 s0, $0xA;
	s2 =	sadd.s32 s3, s2  }
0x8d: {  	s2 =	sadd.s32 s2, s17  }
0x8e: {  	[smem:$0x3FC0] =	sst s2  }
0x8f: {  	_ = 	snop  }
0x90: {  	s2 =	sld [smem:$0x3FD0];
	(tm) =	ssettm $0x1  }
0x91: {  	s18 =	sld [smem:$0x3FFB];
	_ =	sdelay $0x3  }
0x92: {  	_ =	strace s18  }
0x93: {  	s3 =	sld [smem:$0x3FFC];
	_ =	sdelay $0x3  }
0x94: {  	_ =	strace s3  }
0x95: {  	s3 =	sld [smem:$0x3FFD];
	_ =	sdelay $0x3  }
0x96: {  	_ =	strace s3  }
0x97: {  	_ =	strace $0x8FFFFFFF  }
0x98: {  	s19 =	sld [smem:$0x3FDB];
	_ =	sdelay $0x1  }
0x99: {  	s4 =	simm.s32 $_scs_section_size  }
0x9a: {  	s5 =	simm.s32 $_size__tile_overlayer_lowered;
	s6 =	simm.s32 $_tile_overlayer_lowered  }
0x9b: {  	s22 =	simm.s32 $0x1BFF;
	s21 =	sshll.u32 s6, $0x1;
	s3 =	sadd.s32 s4, s19  }
0x9c: {  	s7 =	simm.s32 $0x0;
	s20 =	sshll.u32 s5, $0x1;
	s5 =	sadd.s32 s21, s3  }
0x9d: {  	[timem:s7], [sflag:s22] =	dma.local [hbm:s5], s20  }
0x9e: {  	_ =	swait.ge [sflag:s22], s20  }
0x9f: {  	s4 =	ssub.s32 $0x0, s20;
	[sflag:s22] =	ssyncset.done $0x0  }
0xa0: {  	[sflag:s22] =	ssyncadd.s32 s4;
	_ =	sdelay $0x1  }
0xa1: {  	s23 =	simm.s32 $0x1B8B  }
0xa2: {  	_ =	swait.ge [sflag:s23], $0x1  }
0xa3: {  	[sflag:s23] =	ssyncset.done $0x0  }
0xa4: {  	s25 =	simm.s32 $0x1B8E;
	s24 =	sld [smem:$0x3FFE];
	[sflag:s23] =	ssyncadd.s32 $0xFFFFFFFF  }
0xa5: {  	s26 =	simm.s32 $execute0_lowered;
	[smem:$0x3FD2] =	sst s25  }
0xa6: {  	s5 =	sshll.u32 s26, $0x1;
	_ =	strace $0x80000046;
	[dreg:$0x1] =	wrdreg $0xFFFFFFFF  }
0xa7: {  	s28 =	simm.s32 $_size_execute0_lowered;
	s3 =	sadd.s32 s3, s5;
	[dreg:$0x0] =	wrdreg $0x0  }
0xa8: {  	s5 =	sshll.u32 s28, $0x1;
	[dreg:$0x2] =	wrdreg s3  }
0xa9: {  	[dreg:$0x3] =	wrdreg s5  }
0xaa: {  	[dreg:$0x4] =	wrdreg $0xC0  }
0xab: {  	_ =	task [dreg:s7], $0x5FFFF  }
0xac: {  	[dreg:$0x1] =	wrdreg $0xFFFFFFFF  }
0xad: {  	[dreg:$0x0] =	wrdreg $0x60  }
0xae: {  	[dreg:$0x2] =	wrdreg s24  }
0xaf: {  	[dreg:$0x3] =	wrdreg s2  }
0xb0: {  	[dreg:$0x4] =	wrdreg $0x58000  }
0xb1: {  	[dreg:$0x5] =	wrdreg $0x11B500  }
0xb2: {  	[dreg:$0x6] =	wrdreg $0x9  }
0xb3: {  	_ =	task.clear_ibuf [dreg:s7], $0x7FFFF;
	_ =	strace $0x90000046  }
0xb4: {  	s29 =	simm.s32 $0x9;
	_ =	strace $0x80000048  }
0xb5: {  	_ =	swait.ge [sflag:s29], $0x1  }
0xb6: {  	[sflag:s29] =	ssyncadd.s32 $0xFFFFFFFF  }
0xb7: {  	_ =	strace $0x90000048  }
0xb8: {  	_ =	sfence  }
0xb9: {  	s30 =	sld [smem:$0x0];
	_ =	sdelay $0x2  }
0xba: {  	s31 =	sshll.u32 s1, $0xD;
	s1 =	sshrl.u32 s1, $0x2  }
0xbb: {  	s3 =	sand.u32 $0x4000, s31;
	s1 =	sadd.s32 s1, s30  }
0xbc: {  	s0 =	sor.u32 s3, s0;
	s1 =	sshll.u32 s1, $0x11  }
0xbd: {  	s0 =	sor.u32 s1, s0  }
0xbe: {  	s0 =	sadd.s32 $0x8F2B, s0  }
0xbf: {  	[sflag:s0] =	ssyncadd.remote.s32 $0x1  }
0xc0: {  	_ =	sfence.sel $0xFFFF  }
0xc1: {  	[dreg:$0x0] =	wrdreg $0xFFFFFFFF;
	(pc) =	sbr.abs _section_cstart, $3  }
0xc2: {  	[dreg:$0x1] =	wrdreg $0xFFFFFFFF  }
0xc3: {  	_ =	task.clear_ibuf [dreg:s7], $0x2FFFF;
	_ =	strace $0x9FFFFFFF  }
0xc4: {  	(tm) =	ssettm $0x7FFFFFFF  }
0xc5: {  	_ =	shalt  }
tec
execute0_lowered:
.L_overlay_start_1:
0x0: {  	(tag) =	ssettag $0x1  }
0x1: {  	s0 =	rddreg [dreg:$0x0]  }
0x2: {  	s1 =	rddreg [dreg:$0x1]  }
0x3: {  	s3 =	srdreg.scid;
	s12 =	stileid.u32  }
0x4: {  	s2 =	rddreg [dreg:$0x2];
	s4 =	simm.s32 $0x0;
	s7 =	smul.u32 $0xC350, s12  }
0x5: {  	s19 =	simm.s32 $0x480;
	s20 =	simm.s32 $0x100;
	s8 =	smul.u32 $0x18F6, s12  }
0x6: {  	s28 =	simm.s32 $0x600;
	s29 =	simm.s32 $0x3000;
	s11 =	smul.u32 $0x31EC0, s12  }
0x7: {  	s30 =	simm.s32 $0x5;
	s31 =	simm.s32 $0x2;
	s24 =	smul.u32 $0x5000, s12  }
0x8: {  	s5 =	sand.u32 $0x1, s3;
	s3 =	rddreg [dreg:$0x3];
	s15 =	smul.u32 $0xA00, s12  }
0x9: {  	[smem:$0x7FF] =	sst s4;
	s10 =	sadd.s32 $0x1400, s0;
	s6 =	smul.u32 $0xC3500, s5  }
0xa: {  	_ =	strace $0x80000047;
	s9 =	smul.u32 $0x18F60, s5;
	[dreg:$0x5] =	wrdreg s19  }
0xb: {  	s5 =	ssub.s32 $0x2, s5;
	[dreg:$0x6] =	wrdreg s20;
	s20 =	simm.s32 $0x1  }
0xc: {  	s21 =	sshrl.u32 s5, $0x1;
	s22 =	sshrl.u32 s11, $0x2;
	s17 =	sadd.s32 s15, s10  }
0xd: {  	s6 =	sadd.s32 s7, s6;
	s8 =	sadd.s32 s8, s9;
	s5 =	ssub.s32 s5, s21  }
0xe: {  	s7 =	sadd.s32 s7, s2;
	s9 =	sshrl.u32 s24, $0x3;
	s21 =	simm.s32 $0x500  }
0xf: {  	s24 =	simm.s32 $0x280;
	s6 =	sshrl.u32 s6, $0x3;
	s18 =	sadd.s32 s1, s9  }
0x10: {  	s9 =	sadd.s32 s10, s9;
	s16 =	smax.u32 s5, $0x1;
	[dreg:$0x7] =	wrdreg s21  }
0x11: {  	s19 =	sshrl.u32 s7, $0x3;
	s21 =	simm.s32 $0x800;
	[dreg:$0xa] =	wrdreg s24  }
0x12: {  	s6 =	sadd.s32 s6, s0;
	s0 =	sadd.s32 s8, s0;
	[dreg:$0x13] =	wrdreg s18  }
0x13: {  	s8 =	sadd.s32 s22, s3;
	[dreg:$0x14] =	wrdreg s9;
	s22 =	simm.s32 $0x180  }
0x14: {  	s24 =	simm.s32 $0x3;
	s6 =	sadd.s32 $0xB400, s6;
	[dreg:$0x8] =	wrdreg s22  }
0x15: {  	s5 =	simm.s32 $0x380;
	s25 =	sadd.s32 $0x2800, s8;
	[dreg:$0xd] =	wrdreg s6  }
0x16: {  	s7 =	simm.s32 $0x780;
	s26 =	sadd.s32 $0x5000, s8;
	[dreg:$0xf] =	wrdreg s25  }
0x17: {  	s18 =	sadd.s32 s15, s1;
	s13 =	sadd.s32 $0x7800, s8;
	[dreg:$0x10] =	wrdreg s26  }
0x18: {  	s1 =	simm.s32 $0x4;
	s14 =	sadd.s32 $0xA000, s8;
	[dreg:$0x11] =	wrdreg s13  }
0x19: {  	s9 =	simm.s32 $0x0;
	s0 =	sadd.s32 $0x3C200, s0;
	[dreg:$0x12] =	wrdreg s14  }
0x1a: {  	s22 =	simm.s32 $0x6;
	[dreg:$0x15] =	wrdreg s0;
	s25 =	simm.s32 $0x680  }
0x1b: {  	s6 =	sshll.u32 s12, $0x6;
	s26 =	simm.s32 $0x300;
	[dreg:$0xb] =	wrdreg s25  }
0x1c: {  	s0 =	simm.s32 $0x700;
	s23 =	sor.u32 $0x1C01, s6;
	[dreg:$0xc] =	wrdreg s26  }
0x1d: {  	s25 =	simm.s32 $0x80;
	[dreg:$0xe] =	wrdreg s23;
	s23 =	simm.s32 $0x580  }
0x1e: {  	v0 =	vimm.f32 $0.0e+00;
	s26 =	simm.s32 $0x200;
	[dreg:$0x9] =	wrdreg s23;
	s23 =	simm.s32 $0x400  }
.LBB2_1:
0x1f: {  	s10 =	rddreg [dreg:$0xd]  }
0x20: {  	s11 =	rddreg [dreg:$0xe]  }
0x21: {  	[spmem:s19], [sflag:s11] =	dma.local [hbm:s10], $0x186A  }
0x22: {  	s11 =	simm.s32 $0x140;
	s10 =	simm.s32 $0x0  }
.LBB2_2:
0x23: {  	p0 =	sne.s32 s11, $0x9EC0;
	[tilespmem:s10+$0x840] =	vst v0;
	s12 =	smov.u32 s11;
	s11 =	sadd.s32 $0x140, s11  }
.Ltmp0:
0x24: {  	[tilespmem:s10+$0x830] =	vst v0;
	(pc) =	sbr.rel @p0 .LBB2_2-.Ltmp0, $4  }
0x25: {  	[tilespmem:s10+$0x820] =	vst v0  }
0x26: {  	[tilespmem:s10+$0x800] =	vst v0  }
0x27: {  	[tilespmem:s10+$0x810] =	vst v0  }
0x28: {  	s10 =	sshra.s32 s12, $0x2  }
0x29: {  	[tilespmem:s10+$0x840] =	vst v0  }
0x2a: {  	[tilespmem:s10+$0x830] =	vst v0  }
0x2b: {  	[tilespmem:s10+$0x820] =	vst v0  }
0x2c: {  	[tilespmem:s10+$0x800] =	vst v0  }
0x2d: {  	[tilespmem:s10+$0x810] =	vst v0  }
0x2e: {  	_ =	swait.ge [sflag:s20], $0x186A  }
0x2f: {  	[sflag:s20] =	ssyncset.done $0x0  }
0x30: {  	[sflag:s20] =	ssyncadd.s32 $0xFFFFE796  }
0x31: {  	[spmem:s8] =	stream.linear.scatter [tilespmem:s21], [sflag:$0x6], $0x2800, $0x38;
	[tilespmem:$0x1E300] =	vst v63  }
0x32: {  	_ =	swait.ge [sflag:s22], $0x2800  }
0x33: {  	[sflag:s22] =	ssyncset.done $0x0  }
0x34: {  	s13 =	rddreg [dreg:$0xf];
	[sflag:s22] =	ssyncadd.s32 $0xFFFFD800  }
0x35: {  	[spmem:s13] =	stream.linear.scatter [tilespmem:s21], [sflag:$0x6], $0x2800, $0x38;
	[tilespmem:$0x1E300] =	vst v63  }
0x36: {  	_ =	swait.ge [sflag:s22], $0x2800  }
0x37: {  	[sflag:s22] =	ssyncset.done $0x0  }
0x38: {  	s14 =	rddreg [dreg:$0x10];
	[sflag:s22] =	ssyncadd.s32 $0xFFFFD800  }
0x39: {  	[spmem:s14] =	stream.linear.scatter [tilespmem:s21], [sflag:$0x6], $0x2800, $0x38;
	[tilespmem:$0x1E300] =	vst v63  }
0x3a: {  	_ =	swait.ge [sflag:s22], $0x2800  }
0x3b: {  	[sflag:s22] =	ssyncset.done $0x0  }
0x3c: {  	s15 =	rddreg [dreg:$0x11];
	[sflag:s22] =	ssyncadd.s32 $0xFFFFD800  }
0x3d: {  	[spmem:s15] =	stream.linear.scatter [tilespmem:s21], [sflag:$0x6], $0x2800, $0x38;
	[tilespmem:$0x1E300] =	vst v63  }
0x3e: {  	_ =	swait.ge [sflag:s22], $0x2800  }
0x3f: {  	[sflag:s22] =	ssyncset.done $0x0  }
0x40: {  	s11 =	rddreg [dreg:$0x12];
	[sflag:s22] =	ssyncadd.s32 $0xFFFFD800  }
0x41: {  	[spmem:s11] =	stream.linear.scatter [tilespmem:s21], [sflag:$0x6], $0x27B0, $0x38;
	[tilespmem:$0x1E300] =	vst v63  }
0x42: {  	_ =	swait.ge [sflag:s22], $0x27B0  }
0x43: {  	[sflag:s22] =	ssyncset.done $0x0  }
0x44: {  	[sflag:s22] =	ssyncadd.s32 $0xFFFFD850  }
0x45: {  	[bflag:$0x0] =	sbarrier.arrive $0xFFFF  }
0x46: {  	s12 =	simm.s32 $0x0;
	s11 =	rddreg [dreg:$0x13]  }
0x47: {  	[tilespmem:s12], [sflag:$0x3] =	stream.linear.gather [hbm4b:s11+s12], $0x200, $0x38;
	[tilespmem:$0x1E300] =	vst v63  }
0x48: {  	s13 =	rddreg [dreg:$0x14]  }
0x49: {  	[tilespmem:s23], [sflag:$0x3] =	stream.linear.gather [hbm4b:s13+s12], $0x200, $0x38;
	[tilespmem:$0x1E300] =	vst v63  }
0x4a: {  	_ =	swait.ge [sflag:s24], $0x200  }
0x4b: {  	[sflag:s24] =	ssyncset.done $0x0  }
0x4c: {  	[sflag:s24] =	ssyncadd.s32 $0xFFFFFE00  }
0x4d: {  	_ =	swait.ge [sflag:s24], $0x200  }
0x4e: {  	[sflag:s24] =	ssyncset.done $0x0  }
0x4f: {  	s14 =	sadd.s32 $0x0, s18;
	[sflag:s24] =	ssyncadd.s32 $0xFFFFFE00  }
0x50: {  	[tilespmem:s21], [sflag:$0x1] =	stream.indirect.gather [spmem:s2], $0x50, s12, s25, $0xb8;
	[tilespmem:$0x1E300] =	vst v63  }
0x51: {  	s10 =	sadd.s32 $0x40, s14;
	s15 =	sadd.s32 $0x0, s17  }
0x52: {  	[tilespmem:s26], [sflag:$0x4] =	stream.linear.gather [hbm4b:s10+s4], $0x200, $0x38;
	[tilespmem:$0x1E300] =	vst v63  }
0x53: {  	s11 =	sadd.s32 $0x40, s15  }
0x54: {  	[tilespmem:s28], [sflag:$0x4] =	stream.linear.gather [hbm4b:s11+s4], $0x200, $0x38;
	[tilespmem:$0x1E300] =	vst v63  }
0x55: {  	_ =	swait.ge [sflag:s20], $0x2800  }
0x56: {  	[sflag:s20] =	ssyncset.done $0x0  }
0x57: {  	[sflag:s20] =	ssyncadd.s32 $0xFFFFD800  }
0x58: {  	[spmem:s3] =	stream.indirect.scatter.add.f32 [tilespmem:s21], [sflag:$0x5], $0x50, s23, s25, $0xb8;
	[tilespmem:$0x1E300] =	vst v63  }
0x59: {  	_ = 	snop  }
0x5a: {  	[tilespmem:s29], [sflag:$0x2] =	stream.indirect.gather [spmem:s2], $0x50, s25, s25, $0xb8;
	[tilespmem:$0x1E300] =	vst v63  }
0x5b: {  	_ =	swait.ge [sflag:s30], $0x2800  }
0x5c: {  	[sflag:s30] =	ssyncset.done $0x0  }
0x5d: {  	[sflag:s30] =	ssyncadd.s32 $0xFFFFD800  }
0x5e: {  	_ =	swait.ge [sflag:s31], $0x2800  }
0x5f: {  	[sflag:s31] =	ssyncset.done $0x0  }
0x60: {  	s12 =	rddreg [dreg:$0x5];
	[sflag:s31] =	ssyncadd.s32 $0xFFFFD800  }
0x61: {  	[spmem:s3] =	stream.indirect.scatter.add.f32 [tilespmem:s29], [sflag:$0x5], $0x50, s12, s25, $0xb8;
	[tilespmem:$0x1E300] =	vst v63  }
0x62: {  	s13 =	rddreg [dreg:$0x6]  }
0x63: {  	[tilespmem:s21], [sflag:$0x1] =	stream.indirect.gather [spmem:s2], $0x50, s13, s25, $0xb8;
	[tilespmem:$0x1E300] =	vst v63  }
0x64: {  	_ =	swait.ge [sflag:s30], $0x2800  }
0x65: {  	[sflag:s30] =	ssyncset.done $0x0  }
0x66: {  	[sflag:s30] =	ssyncadd.s32 $0xFFFFD800  }
0x67: {  	_ =	swait.ge [sflag:s20], $0x2800  }
0x68: {  	[sflag:s20] =	ssyncset.done $0x0  }
0x69: {  	s14 =	rddreg [dreg:$0x7];
	[sflag:s20] =	ssyncadd.s32 $0xFFFFD800  }
0x6a: {  	[spmem:s3] =	stream.indirect.scatter.add.f32 [tilespmem:s21], [sflag:$0x5], $0x50, s14, s25, $0xb8;
	[tilespmem:$0x1E300] =	vst v63  }
0x6b: {  	s15 =	rddreg [dreg:$0x8]  }
0x6c: {  	[tilespmem:s29], [sflag:$0x2] =	stream.indirect.gather [spmem:s2], $0x50, s15, s25, $0xb8;
	[tilespmem:$0x1E300] =	vst v63  }
0x6d: {  	_ =	swait.ge [sflag:s30], $0x2800  }
0x6e: {  	[sflag:s30] =	ssyncset.done $0x0  }
0x6f: {  	[sflag:s30] =	ssyncadd.s32 $0xFFFFD800  }
0x70: {  	_ =	swait.ge [sflag:s31], $0x2800  }
0x71: {  	[sflag:s31] =	ssyncset.done $0x0  }
0x72: {  	s12 =	rddreg [dreg:$0x9];
	[sflag:s31] =	ssyncadd.s32 $0xFFFFD800  }
0x73: {  	[spmem:s3] =	stream.indirect.scatter.add.f32 [tilespmem:s29], [sflag:$0x5], $0x50, s12, s25, $0xb8;
	[tilespmem:$0x1E300] =	vst v63  }
0x74: {  	_ =	swait.ge [sflag:s1], $0x200  }
0x75: {  	[sflag:s1] =	ssyncset.done $0x0  }
0x76: {  	[sflag:s1] =	ssyncadd.s32 $0xFFFFFE00  }
0x77: {  	_ =	swait.ge [sflag:s1], $0x200  }
0x78: {  	[sflag:s1] =	ssyncset.done $0x0  }
0x79: {  	p0 =	por $0x0, $0x0;
	[sflag:s1] =	ssyncadd.s32 $0xFFFFFE00  }
0x7a: {  	[tilespmem:s21], [sflag:$0x1] =	stream.indirect.gather [spmem:s2], $0x50, s26, s25, $0xb8;
	[tilespmem:$0x1E300] =	vst v63  }
0x7b: {  	s10 =	sadd.s32 @!p0 $0x0, s18;
	_ =	swait.ge [sflag:s30], $0x2800  }
0x7c: {  	s10 =	sadd.s32 @!p0 $0x80, s10;
	[sflag:s30] =	ssyncset.done $0x0  }
0x7d: {  	s11 =	sadd.s32 @!p0 $0x0, s17;
	s12 =	simm.s32 @!p0 $0x0;
	[sflag:s30] =	ssyncadd.s32 $0xFFFFD800  }
0x7e: {  	[tilespmem:s12], [sflag:$0x3] =	stream.linear.gather @!p0 [hbm4b:s10+s12], $0x200, $0x38;
	[tilespmem:$0x1E300] =	vst v63  }
0x7f: {  	s10 =	sadd.s32 @!p0 $0x80, s11;
	s11 =	simm.s32 @!p0 $0x400  }
0x80: {  	[tilespmem:s11], [sflag:$0x3] =	stream.linear.gather @!p0 [hbm4b:s10+s12], $0x200, $0x38;
	[tilespmem:$0x1E300] =	vst v63  }
0x81: {  	_ =	swait.ge [sflag:s20], $0x2800  }
0x82: {  	[sflag:s20] =	ssyncset.done $0x0  }
0x83: {  	[sflag:s20] =	ssyncadd.s32 $0xFFFFD800  }
0x84: {  	[spmem:s3] =	stream.indirect.scatter.add.f32 [tilespmem:s21], [sflag:$0x5], $0x50, s28, s25, $0xb8;
	[tilespmem:$0x1E300] =	vst v63  }
0x85: {  	s13 =	rddreg [dreg:$0xa]  }
0x86: {  	[tilespmem:s29], [sflag:$0x2] =	stream.indirect.gather [spmem:s2], $0x50, s13, s25, $0xb8;
	[tilespmem:$0x1E300] =	vst v63  }
0x87: {  	_ =	swait.ge [sflag:s30], $0x2800  }
0x88: {  	[sflag:s30] =	ssyncset.done $0x0  }
0x89: {  	[sflag:s30] =	ssyncadd.s32 $0xFFFFD800  }
0x8a: {  	_ =	swait.ge [sflag:s31], $0x2800  }
0x8b: {  	[sflag:s31] =	ssyncset.done $0x0  }
0x8c: {  	s14 =	rddreg [dreg:$0xb];
	[sflag:s31] =	ssyncadd.s32 $0xFFFFD800  }
0x8d: {  	[spmem:s3] =	stream.indirect.scatter.add.f32 [tilespmem:s29], [sflag:$0x5], $0x50, s14, s25, $0xb8;
	[tilespmem:$0x1E300] =	vst v63  }
0x8e: {  	s15 =	rddreg [dreg:$0xc]  }
0x8f: {  	[tilespmem:s21], [sflag:$0x1] =	stream.indirect.gather [spmem:s2], $0x50, s15, s25, $0xb8;
	[tilespmem:$0x1E300] =	vst v63  }
0x90: {  	_ =	swait.ge [sflag:s30], $0x2800  }
0x91: {  	[sflag:s30] =	ssyncset.done $0x0  }
0x92: {  	[sflag:s30] =	ssyncadd.s32 $0xFFFFD800  }
0x93: {  	_ =	swait.ge [sflag:s20], $0x2800  }
0x94: {  	[sflag:s20] =	ssyncset.done $0x0  }
0x95: {  	[sflag:s20] =	ssyncadd.s32 $0xFFFFD800  }
0x96: {  	[spmem:s3] =	stream.indirect.scatter.add.f32 [tilespmem:s21], [sflag:$0x5], $0x50, s0, s25, $0xb8;
	[tilespmem:$0x1E300] =	vst v63  }
0x97: {  	_ = 	snop  }
0x98: {  	[tilespmem:s29], [sflag:$0x2] =	stream.indirect.gather [spmem:s2], $0x50, s5, s25, $0xb8;
	[tilespmem:$0x1E300] =	vst v63  }
0x99: {  	_ =	swait.ge [sflag:s30], $0x2800  }
0x9a: {  	[sflag:s30] =	ssyncset.done $0x0  }
0x9b: {  	[sflag:s30] =	ssyncadd.s32 $0xFFFFD800  }
0x9c: {  	_ =	swait.ge [sflag:s31], $0x2800  }
0x9d: {  	[sflag:s31] =	ssyncset.done $0x0  }
0x9e: {  	s10 =	simm.s32 @!p0 $0x3;
	[sflag:s31] =	ssyncadd.s32 $0xFFFFD800  }
0x9f: {  	[spmem:s3] =	stream.indirect.scatter.add.f32 [tilespmem:s29], [sflag:$0x5], $0x50, s7, s25, $0xb8;
	[tilespmem:$0x1E300] =	vst v63  }
0xa0: {  	_ =	swait.ge @!p0 [sflag:s10], $0x200  }
0xa1: {  	[sflag:s10] =	ssyncset.done @!p0 $0x0  }
0xa2: {  	[sflag:s10] =	ssyncadd.s32 @!p0 $0xFFFFFE00  }
0xa3: {  	_ =	swait.ge @!p0 [sflag:s10], $0x200  }
0xa4: {  	[sflag:s10] =	ssyncset.done @!p0 $0x0  }
0xa5: {  	s11 =	simm.s32 @!p0 $0x800;
	[sflag:s10] =	ssyncadd.s32 @!p0 $0xFFFFFE00;
	s10 =	simm.s32 @!p0 $0x80  }
0xa6: {  	[tilespmem:s11], [sflag:$0x1] =	stream.indirect.gather @!p0 [spmem:s2], $0x50, s12, s10, $0xb8;
	[tilespmem:$0x1E300] =	vst v63  }
0xa7: {  	s10 =	simm.s32 $0x80;
	_ =	swait.ge [sflag:s30], $0x2800  }
0xa8: {  	s11 =	simm.s32 $0x100;
	s12 =	sadd.s32 $0x80, s18;
	[sflag:s30] =	ssyncset.done $0x0  }
.LBB2_4:
0xa9: {  	s12 =	sadd.s32 $0x40, s12;
	s13 =	sadd.s32 s10, s17;
	[sflag:s30] =	ssyncadd.s32 $0xFFFFD800  }
0xaa: {  	[tilespmem:s26], [sflag:$0x4] =	stream.linear.gather [hbm4b:s12+s4], $0x200, $0x38;
	[tilespmem:$0x1E300] =	vst v63  }
0xab: {  	s13 =	sadd.s32 $0x40, s13  }
0xac: {  	[tilespmem:s28], [sflag:$0x4] =	stream.linear.gather [hbm4b:s13+s4], $0x200, $0x38;
	[tilespmem:$0x1E300] =	vst v63  }
0xad: {  	_ =	swait.ge [sflag:s20], $0x2800  }
0xae: {  	[sflag:s20] =	ssyncset.done $0x0  }
0xaf: {  	[sflag:s20] =	ssyncadd.s32 $0xFFFFD800  }
0xb0: {  	[spmem:s3] =	stream.indirect.scatter.add.f32 [tilespmem:s21], [sflag:$0x5], $0x50, s23, s25, $0xb8;
	[tilespmem:$0x1E300] =	vst v63  }
0xb1: {  	_ = 	snop  }
0xb2: {  	[tilespmem:s29], [sflag:$0x2] =	stream.indirect.gather [spmem:s2], $0x50, s25, s25, $0xb8;
	[tilespmem:$0x1E300] =	vst v63  }
0xb3: {  	_ =	swait.ge [sflag:s30], $0x2800  }
0xb4: {  	[sflag:s30] =	ssyncset.done $0x0  }
0xb5: {  	[sflag:s30] =	ssyncadd.s32 $0xFFFFD800  }
0xb6: {  	_ =	swait.ge [sflag:s31], $0x2800  }
0xb7: {  	[sflag:s31] =	ssyncset.done $0x0  }
0xb8: {  	s15 =	rddreg [dreg:$0x5];
	[sflag:s31] =	ssyncadd.s32 $0xFFFFD800  }
0xb9: {  	[spmem:s3] =	stream.indirect.scatter.add.f32 [tilespmem:s29], [sflag:$0x5], $0x50, s15, s25, $0xb8;
	[tilespmem:$0x1E300] =	vst v63  }
0xba: {  	s14 =	rddreg [dreg:$0x6]  }
0xbb: {  	[tilespmem:s21], [sflag:$0x1] =	stream.indirect.gather [spmem:s2], $0x50, s14, s25, $0xb8;
	[tilespmem:$0x1E300] =	vst v63  }
0xbc: {  	_ =	swait.ge [sflag:s30], $0x2800  }
0xbd: {  	[sflag:s30] =	ssyncset.done $0x0  }
0xbe: {  	[sflag:s30] =	ssyncadd.s32 $0xFFFFD800  }
0xbf: {  	_ =	swait.ge [sflag:s20], $0x2800  }
0xc0: {  	[sflag:s20] =	ssyncset.done $0x0  }
0xc1: {  	s14 =	rddreg [dreg:$0x7];
	[sflag:s20] =	ssyncadd.s32 $0xFFFFD800  }
0xc2: {  	[spmem:s3] =	stream.indirect.scatter.add.f32 [tilespmem:s21], [sflag:$0x5], $0x50, s14, s25, $0xb8;
	[tilespmem:$0x1E300] =	vst v63  }
0xc3: {  	s15 =	rddreg [dreg:$0x8]  }
0xc4: {  	[tilespmem:s29], [sflag:$0x2] =	stream.indirect.gather [spmem:s2], $0x50, s15, s25, $0xb8;
	[tilespmem:$0x1E300] =	vst v63  }
0xc5: {  	_ =	swait.ge [sflag:s30], $0x2800  }
0xc6: {  	[sflag:s30] =	ssyncset.done $0x0  }
0xc7: {  	[sflag:s30] =	ssyncadd.s32 $0xFFFFD800  }
0xc8: {  	_ =	swait.ge [sflag:s31], $0x2800  }
0xc9: {  	[sflag:s31] =	ssyncset.done $0x0  }
0xca: {  	s14 =	rddreg [dreg:$0x9];
	[sflag:s31] =	ssyncadd.s32 $0xFFFFD800  }
0xcb: {  	[spmem:s3] =	stream.indirect.scatter.add.f32 [tilespmem:s29], [sflag:$0x5], $0x50, s14, s25, $0xb8;
	[tilespmem:$0x1E300] =	vst v63  }
0xcc: {  	_ =	swait.ge [sflag:s1], $0x200  }
0xcd: {  	[sflag:s1] =	ssyncset.done $0x0  }
0xce: {  	[sflag:s1] =	ssyncadd.s32 $0xFFFFFE00  }
0xcf: {  	_ =	swait.ge [sflag:s1], $0x200  }
0xd0: {  	[sflag:s1] =	ssyncset.done $0x0  }
0xd1: {  	[sflag:s1] =	ssyncadd.s32 $0xFFFFFE00  }
0xd2: {  	[tilespmem:s21], [sflag:$0x1] =	stream.indirect.gather [spmem:s2], $0x50, s26, s25, $0xb8;
	[tilespmem:$0x1E300] =	vst v63  }
0xd3: {  	p1 =	seq.s32 s10, $0x980;
	_ =	swait.ge [sflag:s30], $0x2800  }
0xd4: {  	s13 =	sadd.s32 @!p1 s10, s18;
	s10 =	sadd.s32 @!p1 s10, s17;
	[sflag:s30] =	ssyncset.done $0x0  }
0xd5: {  	s14 =	sadd.s32 @!p1 $0x80, s13;
	s13 =	simm.s32 @!p1 $0x0;
	[sflag:s30] =	ssyncadd.s32 $0xFFFFD800  }
0xd6: {  	[tilespmem:s13], [sflag:$0x3] =	stream.linear.gather @!p1 [hbm4b:s14+s13], $0x200, $0x38;
	[tilespmem:$0x1E300] =	vst v63  }
0xd7: {  	s15 =	simm.s32 @!p1 $0x400;
	s14 =	sadd.s32 @!p1 $0x80, s10  }
0xd8: {  	[tilespmem:s15], [sflag:$0x3] =	stream.linear.gather @!p1 [hbm4b:s14+s13], $0x200, $0x38;
	[tilespmem:$0x1E300] =	vst v63  }
0xd9: {  	_ =	swait.ge [sflag:s20], $0x2800  }
0xda: {  	[sflag:s20] =	ssyncset.done $0x0  }
0xdb: {  	[sflag:s20] =	ssyncadd.s32 $0xFFFFD800  }
0xdc: {  	[spmem:s3] =	stream.indirect.scatter.add.f32 [tilespmem:s21], [sflag:$0x5], $0x50, s28, s25, $0xb8;
	[tilespmem:$0x1E300] =	vst v63  }
0xdd: {  	s15 =	rddreg [dreg:$0xa]  }
0xde: {  	[tilespmem:s29], [sflag:$0x2] =	stream.indirect.gather [spmem:s2], $0x50, s15, s25, $0xb8;
	[tilespmem:$0x1E300] =	vst v63  }
0xdf: {  	_ =	swait.ge [sflag:s30], $0x2800  }
0xe0: {  	[sflag:s30] =	ssyncset.done $0x0  }
0xe1: {  	[sflag:s30] =	ssyncadd.s32 $0xFFFFD800  }
0xe2: {  	_ =	swait.ge [sflag:s31], $0x2800  }
0xe3: {  	[sflag:s31] =	ssyncset.done $0x0  }
0xe4: {  	s14 =	rddreg [dreg:$0xb];
	[sflag:s31] =	ssyncadd.s32 $0xFFFFD800  }
0xe5: {  	[spmem:s3] =	stream.indirect.scatter.add.f32 [tilespmem:s29], [sflag:$0x5], $0x50, s14, s25, $0xb8;
	[tilespmem:$0x1E300] =	vst v63  }
0xe6: {  	s15 =	rddreg [dreg:$0xc]  }
0xe7: {  	[tilespmem:s21], [sflag:$0x1] =	stream.indirect.gather [spmem:s2], $0x50, s15, s25, $0xb8;
	[tilespmem:$0x1E300] =	vst v63  }
0xe8: {  	_ =	swait.ge [sflag:s30], $0x2800  }
0xe9: {  	[sflag:s30] =	ssyncset.done $0x0  }
0xea: {  	[sflag:s30] =	ssyncadd.s32 $0xFFFFD800  }
0xeb: {  	_ =	swait.ge [sflag:s20], $0x2800  }
0xec: {  	[sflag:s20] =	ssyncset.done $0x0  }
0xed: {  	[sflag:s20] =	ssyncadd.s32 $0xFFFFD800  }
0xee: {  	[spmem:s3] =	stream.indirect.scatter.add.f32 [tilespmem:s21], [sflag:$0x5], $0x50, s0, s25, $0xb8;
	[tilespmem:$0x1E300] =	vst v63  }
0xef: {  	_ = 	snop  }
0xf0: {  	[tilespmem:s29], [sflag:$0x2] =	stream.indirect.gather [spmem:s2], $0x50, s5, s25, $0xb8;
	[tilespmem:$0x1E300] =	vst v63  }
0xf1: {  	_ =	swait.ge [sflag:s30], $0x2800  }
0xf2: {  	[sflag:s30] =	ssyncset.done $0x0  }
0xf3: {  	[sflag:s30] =	ssyncadd.s32 $0xFFFFD800  }
0xf4: {  	_ =	swait.ge [sflag:s31], $0x2800  }
0xf5: {  	s12 =	smov.u32 s11;
	[sflag:s31] =	ssyncset.done $0x0  }
0xf6: {  	s10 =	smov.u32 s12;
	s12 =	simm.s32 @!p1 $0x3;
	[sflag:s31] =	ssyncadd.s32 $0xFFFFD800  }
0xf7: {  	[spmem:s3] =	stream.indirect.scatter.add.f32 [tilespmem:s29], [sflag:$0x5], $0x50, s7, s25, $0xb8;
	[tilespmem:$0x1E300] =	vst v63  }
0xf8: {  	_ =	swait.ge @!p1 [sflag:s12], $0x200  }
0xf9: {  	[sflag:s12] =	ssyncset.done @!p1 $0x0  }
0xfa: {  	s11 =	sadd.s32 $0x80, s11;
	[sflag:s12] =	ssyncadd.s32 @!p1 $0xFFFFFE00  }
0xfb: {  	p0 =	sne.s32 s11, $0xA00;
	_ =	swait.ge @!p1 [sflag:s12], $0x200  }
.Ltmp1:
0xfc: {  	[sflag:s12] =	ssyncset.done @!p1 $0x0;
	(pc) =	sbr.rel @p0 .LBB2_4-.Ltmp1, $4  }
0xfd: {  	s14 =	simm.s32 @!p1 $0x800;
	[sflag:s12] =	ssyncadd.s32 @!p1 $0xFFFFFE00;
	s12 =	simm.s32 @!p1 $0x80  }
0xfe: {  	[tilespmem:s14], [sflag:$0x1] =	stream.indirect.gather @!p1 [spmem:s2], $0x50, s13, s12, $0xb8;
	[tilespmem:$0x1E300] =	vst v63  }
0xff: {  	_ =	swait.ge [sflag:s30], $0x2800  }
0x100: {  	s12 =	sadd.s32 s10, s18;
	[sflag:s30] =	ssyncset.done $0x0  }
0x101: {  	s11 =	sadd.s32 $0x40, s12;
	s14 =	sadd.s32 s10, s17;
	[sflag:s30] =	ssyncadd.s32 $0xFFFFD800  }
0x102: {  	[tilespmem:s26], [sflag:$0x4] =	stream.linear.gather [hbm4b:s11+s4], $0x200, $0x38;
	[tilespmem:$0x1E300] =	vst v63  }
0x103: {  	s15 =	sadd.s32 $0x40, s14  }
0x104: {  	[tilespmem:s28], [sflag:$0x4] =	stream.linear.gather [hbm4b:s15+s4], $0x200, $0x38;
	[tilespmem:$0x1E300] =	vst v63  }
0x105: {  	_ =	swait.ge [sflag:s20], $0x2800  }
0x106: {  	[sflag:s20] =	ssyncset.done $0x0  }
0x107: {  	[sflag:s20] =	ssyncadd.s32 $0xFFFFD800  }
0x108: {  	[spmem:s3] =	stream.indirect.scatter.add.f32 [tilespmem:s21], [sflag:$0x5], $0x50, s23, s25, $0xb8;
	[tilespmem:$0x1E300] =	vst v63  }
0x109: {  	_ = 	snop  }
0x10a: {  	[tilespmem:s29], [sflag:$0x2] =	stream.indirect.gather [spmem:s2], $0x50, s25, s25, $0xb8;
	[tilespmem:$0x1E300] =	vst v63  }
0x10b: {  	_ =	swait.ge [sflag:s30], $0x2800  }
0x10c: {  	[sflag:s30] =	ssyncset.done $0x0  }
0x10d: {  	[sflag:s30] =	ssyncadd.s32 $0xFFFFD800  }
0x10e: {  	_ =	swait.ge [sflag:s31], $0x2800  }
0x10f: {  	[sflag:s31] =	ssyncset.done $0x0  }
0x110: {  	s12 =	rddreg [dreg:$0x5];
	[sflag:s31] =	ssyncadd.s32 $0xFFFFD800  }
0x111: {  	[spmem:s3] =	stream.indirect.scatter.add.f32 [tilespmem:s29], [sflag:$0x5], $0x50, s12, s25, $0xb8;
	[tilespmem:$0x1E300] =	vst v63  }
0x112: {  	s13 =	rddreg [dreg:$0x6]  }
0x113: {  	[tilespmem:s21], [sflag:$0x1] =	stream.indirect.gather [spmem:s2], $0x50, s13, s25, $0xb8;
	[tilespmem:$0x1E300] =	vst v63  }
0x114: {  	_ =	swait.ge [sflag:s30], $0x2800  }
0x115: {  	[sflag:s30] =	ssyncset.done $0x0  }
0x116: {  	[sflag:s30] =	ssyncadd.s32 $0xFFFFD800  }
0x117: {  	_ =	swait.ge [sflag:s20], $0x2800  }
0x118: {  	[sflag:s20] =	ssyncset.done $0x0  }
0x119: {  	s14 =	rddreg [dreg:$0x7];
	[sflag:s20] =	ssyncadd.s32 $0xFFFFD800  }
0x11a: {  	[spmem:s3] =	stream.indirect.scatter.add.f32 [tilespmem:s21], [sflag:$0x5], $0x50, s14, s25, $0xb8;
	[tilespmem:$0x1E300] =	vst v63  }
0x11b: {  	s15 =	rddreg [dreg:$0x8]  }
0x11c: {  	[tilespmem:s29], [sflag:$0x2] =	stream.indirect.gather [spmem:s2], $0x50, s15, s25, $0xb8;
	[tilespmem:$0x1E300] =	vst v63  }
0x11d: {  	_ =	swait.ge [sflag:s30], $0x2800  }
0x11e: {  	[sflag:s30] =	ssyncset.done $0x0  }
0x11f: {  	[sflag:s30] =	ssyncadd.s32 $0xFFFFD800  }
0x120: {  	_ =	swait.ge [sflag:s31], $0x2800  }
0x121: {  	[sflag:s31] =	ssyncset.done $0x0  }
0x122: {  	s12 =	rddreg [dreg:$0x9];
	[sflag:s31] =	ssyncadd.s32 $0xFFFFD800  }
0x123: {  	[spmem:s3] =	stream.indirect.scatter.add.f32 [tilespmem:s29], [sflag:$0x5], $0x50, s12, s25, $0xb8;
	[tilespmem:$0x1E300] =	vst v63  }
0x124: {  	_ =	swait.ge [sflag:s1], $0x200  }
0x125: {  	[sflag:s1] =	ssyncset.done $0x0  }
0x126: {  	[sflag:s1] =	ssyncadd.s32 $0xFFFFFE00  }
0x127: {  	_ =	swait.ge [sflag:s1], $0x200  }
0x128: {  	[sflag:s1] =	ssyncset.done $0x0  }
0x129: {  	[sflag:s1] =	ssyncadd.s32 $0xFFFFFE00  }
0x12a: {  	[tilespmem:s21], [sflag:$0x1] =	stream.indirect.gather [spmem:s2], $0x50, s26, s25, $0xb8;
	[tilespmem:$0x1E300] =	vst v63  }
0x12b: {  	p0 =	seq.s32 s10, $0x980;
	_ =	swait.ge [sflag:s30], $0x2800  }
0x12c: {  	s11 =	sadd.s32 @!p0 s10, s18;
	s10 =	sadd.s32 @!p0 s10, s17;
	[sflag:s30] =	ssyncset.done $0x0  }
0x12d: {  	s11 =	sadd.s32 @!p0 $0x80, s11;
	s12 =	simm.s32 @!p0 $0x0;
	[sflag:s30] =	ssyncadd.s32 $0xFFFFD800  }
0x12e: {  	[tilespmem:s12], [sflag:$0x3] =	stream.linear.gather @!p0 [hbm4b:s11+s12], $0x200, $0x38;
	[tilespmem:$0x1E300] =	vst v63  }
0x12f: {  	s10 =	sadd.s32 @!p0 $0x80, s10;
	s11 =	simm.s32 @!p0 $0x400  }
0x130: {  	[tilespmem:s11], [sflag:$0x3] =	stream.linear.gather @!p0 [hbm4b:s10+s12], $0x200, $0x38;
	[tilespmem:$0x1E300] =	vst v63  }
0x131: {  	_ =	swait.ge [sflag:s20], $0x2800  }
0x132: {  	[sflag:s20] =	ssyncset.done $0x0  }
0x133: {  	[sflag:s20] =	ssyncadd.s32 $0xFFFFD800  }
0x134: {  	[spmem:s3] =	stream.indirect.scatter.add.f32 [tilespmem:s21], [sflag:$0x5], $0x50, s28, s25, $0xb8;
	[tilespmem:$0x1E300] =	vst v63  }
0x135: {  	s13 =	rddreg [dreg:$0xa]  }
0x136: {  	[tilespmem:s29], [sflag:$0x2] =	stream.indirect.gather [spmem:s2], $0x50, s13, s25, $0xb8;
	[tilespmem:$0x1E300] =	vst v63  }
0x137: {  	_ =	swait.ge [sflag:s30], $0x2800  }
0x138: {  	[sflag:s30] =	ssyncset.done $0x0  }
0x139: {  	[sflag:s30] =	ssyncadd.s32 $0xFFFFD800  }
0x13a: {  	_ =	swait.ge [sflag:s31], $0x2800  }
0x13b: {  	[sflag:s31] =	ssyncset.done $0x0  }
0x13c: {  	s14 =	rddreg [dreg:$0xb];
	[sflag:s31] =	ssyncadd.s32 $0xFFFFD800  }
0x13d: {  	[spmem:s3] =	stream.indirect.scatter.add.f32 [tilespmem:s29], [sflag:$0x5], $0x50, s14, s25, $0xb8;
	[tilespmem:$0x1E300] =	vst v63  }
0x13e: {  	s15 =	rddreg [dreg:$0xc]  }
0x13f: {  	[tilespmem:s21], [sflag:$0x1] =	stream.indirect.gather [spmem:s2], $0x50, s15, s25, $0xb8;
	[tilespmem:$0x1E300] =	vst v63  }
0x140: {  	_ =	swait.ge [sflag:s30], $0x2800  }
0x141: {  	[sflag:s30] =	ssyncset.done $0x0  }
0x142: {  	[sflag:s30] =	ssyncadd.s32 $0xFFFFD800  }
0x143: {  	_ =	swait.ge [sflag:s20], $0x2800  }
0x144: {  	[sflag:s20] =	ssyncset.done $0x0  }
0x145: {  	[sflag:s20] =	ssyncadd.s32 $0xFFFFD800  }
0x146: {  	[spmem:s3] =	stream.indirect.scatter.add.f32 [tilespmem:s21], [sflag:$0x5], $0x50, s0, s25, $0xb8;
	[tilespmem:$0x1E300] =	vst v63  }
0x147: {  	_ = 	snop  }
0x148: {  	[tilespmem:s29], [sflag:$0x2] =	stream.indirect.gather [spmem:s2], $0x50, s5, s25, $0xb8;
	[tilespmem:$0x1E300] =	vst v63  }
0x149: {  	_ =	swait.ge [sflag:s30], $0x2800  }
0x14a: {  	[sflag:s30] =	ssyncset.done $0x0  }
0x14b: {  	[sflag:s30] =	ssyncadd.s32 $0xFFFFD800  }
0x14c: {  	_ =	swait.ge [sflag:s31], $0x2800  }
0x14d: {  	[sflag:s31] =	ssyncset.done $0x0  }
0x14e: {  	s10 =	simm.s32 @!p0 $0x3;
	[sflag:s31] =	ssyncadd.s32 $0xFFFFD800  }
0x14f: {  	[spmem:s3] =	stream.indirect.scatter.add.f32 [tilespmem:s29], [sflag:$0x5], $0x50, s7, s25, $0xb8;
	[tilespmem:$0x1E300] =	vst v63  }
0x150: {  	_ =	swait.ge @!p0 [sflag:s10], $0x200  }
0x151: {  	[sflag:s10] =	ssyncset.done @!p0 $0x0  }
0x152: {  	[sflag:s10] =	ssyncadd.s32 @!p0 $0xFFFFFE00  }
0x153: {  	_ =	swait.ge @!p0 [sflag:s10], $0x200  }
0x154: {  	[sflag:s10] =	ssyncset.done @!p0 $0x0  }
0x155: {  	s11 =	simm.s32 @!p0 $0x800;
	[sflag:s10] =	ssyncadd.s32 @!p0 $0xFFFFFE00;
	s10 =	simm.s32 @!p0 $0x80  }
0x156: {  	[tilespmem:s11], [sflag:$0x1] =	stream.indirect.gather @!p0 [spmem:s2], $0x50, s12, s10, $0xb8;
	[tilespmem:$0x1E300] =	vst v63  }
0x157: {  	_ =	swait.ge [sflag:s30], $0x2800  }
0x158: {  	[sflag:s30] =	ssyncset.done $0x0  }
0x159: {  	s9 =	sadd.s32 $0x1, s9;
	[sflag:s30] =	ssyncadd.s32 $0xFFFFD800  }
0x15a: {  	s13 =	sor.u32 $0x1C06, s6;
	p0 =	sne.s32 s9, s16;
	[bflag:$0x0] =	sbarrier.arrive $0xFFFF  }
.Ltmp2:
0x15b: {  	s14 =	sshrl.u32 s8, $0x3;
	s15 =	rddreg [dreg:$0x15];
	(pc) =	sbr.rel @p0 .LBB2_1-.Ltmp2, $4  }
0x15c: {  	[hbm:s15], [sflag:s13] =	dma.local [spmem:s14], $0x18F6  }
0x15d: {  	_ =	swait.ge [sflag:s22], $0x18F6  }
0x15e: {  	[sflag:s22] =	ssyncset.done $0x0  }
0x15f: {  	[sflag:s22] =	ssyncadd.s32 $0xFFFFE70A  }
0x160: {  	_ =	sfence.sel $0x180000  }
0x161: {  	[bflag:$0x0] =	sbarrier.arrive $0xFFFF  }
0x162: {  	_ =	strace $0x90000047  }
0x163: {  	s0 =	stileid.u32;
	[bflag:$0x2] =	sbarrier.arrive $0xFFFF  }
0x164: {  	p0 =	sne.s32 s0, $0x0;
	s0 =	rddreg [dreg:$0x4]  }
0x165: {  	s0 =	sadd.s32 @!p0 $0x100000, s0  }
0x166: {  	[sflag:s0] =	ssyncadd.tile.s32 @!p0 $0x1;
	_ =	shalt  }
.Lfunc_end2:
_tile_overlayer_lowered:
.L_overlay_start_2:
0x167: {  	(tag) =	ssettag $0x2  }
0x168: {  	s0 =	rddreg [dreg:$0x0];
	s2 =	stileid.u32  }
0x169: {  	s1 =	rddreg [dreg:$0x1];
	p0 =	sne.s32 s2, $0x0  }
0x16a: {  	s3 =	rddreg [dreg:$0x2];
	[bflag:$0x3] =	sbarrier.arrive $0xFFFF;
	s2 =	simm.s32 @!p0 $0x1C06  }
0x16b: {  	[timem:s3], [sflag:s2] =	dma.local @!p0 [hbm:s0], s1  }
0x16c: {  	s0 =	simm.s32 @!p0 $0x6  }
0x16d: {  	_ =	swait.ge @!p0 [sflag:s0], s1  }
0x16e: {  	s1 =	ssub.s32 @!p0 $0x0, s1;
	[sflag:s0] =	ssyncset.done @!p0 $0x0  }
0x16f: {  	[sflag:s0] =	ssyncadd.s32 @!p0 s1  }
0x170: {  	[bflag:$0x3] =	sbarrier.arrive $0xFFFF  }
0x171: {  	_ =	shalt  }

</sc_bundles>
